<compile_context>
chip_gen: v7x
topology: tpu7x:2x2x1
jax: 0.10.2.dev20260603
libtpu: 0.0.44.dev20260713+nightly
codegen_flags: <defaults>
</compile_context>

<pallas_src>
import functools

import jax
import jax.numpy as jnp
from jax import lax
from jax.experimental import pallas as pl
from jax.experimental.pallas import tpu as pltpu
from jax.experimental.pallas import tpu_sc as plsc

N = 10000
NP = 10112
E = 320000
EB = 128
NW = 32
WB = 80
NBLK = NW * WB
E_PAD = NW * WB * EB
RPT = NP // 16
DEG_PAD = 10240
DEG_RPT = DEG_PAD // 16

_MESH = plsc.VectorSubcoreMesh(
    core_axis_name="c", subcore_axis_name="s", num_cores=2, num_subcores=16
)


def _make_prop(feat):

    @functools.partial(
        pl.kernel,
        mesh=_MESH,
        out_type=(jax.ShapeDtypeStruct((NP, feat), jnp.float32),) * 2,
        scratch_types=[
            pltpu.VMEM((EB,), jnp.int32),
            pltpu.VMEM((EB,), jnp.int32),
            pltpu.VMEM((1, EB), jnp.int32),
            pltpu.VMEM((1, EB), jnp.int32),
            pltpu.VMEM((EB, feat), jnp.float32),
            pltpu.VMEM((EB, feat), jnp.float32),
            pltpu.VMEM_SHARED((NP, feat), jnp.float32),
            pltpu.SemaphoreType.DMA,
            pltpu.SemaphoreType.DMA,
            pltpu.SemaphoreType.DMA,
            pltpu.SemaphoreType.DMA,
        ],
    )
    def prop(src_hbm, dst_hbm, feat_hbm, zeros_hbm, o0, o1,
             sv0, sv1, dv0, dv1, r0, r1, acc,
             isem0, isem1, gsem0, gsem1):
        c = lax.axis_index("c")
        s = lax.axis_index("s")
        w = c * 16 + s

        sv = (sv0, sv1)
        dv = (dv0, dv1)

        def idx_load(j, k, sem):
            b = w + j * NW
            pltpu.async_copy(src_hbm.at[b], sv[k], sem)
            pltpu.async_copy(dst_hbm.at[b], dv[k].at[0], sem)

        def idx_wait(k, sem):
            pltpu.make_async_copy(src_hbm.at[0], sv[k], sem).wait()
            pltpu.make_async_copy(src_hbm.at[0], dv[k].at[0], sem).wait()

        def gather(k, buf, sem):
            pltpu.async_copy(feat_hbm.at[sv[k]], buf, sem)

        def gwait(buf, sem):
            pltpu.make_async_copy(feat_hbm.at[sv0], buf, sem).wait()

        def scat(k, buf):
            pltpu.sync_copy(buf, acc.at[dv[k].at[0]], add=True)

        idx_load(0, 0, isem0)
        cpz = pltpu.async_copy(zeros_hbm, acc.at[pl.ds(s * RPT, RPT)], isem1)
        cpz.wait()
        plsc.subcore_barrier()

        idx_wait(0, isem0)
        gather(0, r0, gsem0)
        idx_load(1, 1, isem1)

        @pl.loop(0, WB // 2)
        def _(i):
            j = 2 * i
            idx_wait(1, isem1)
            gather(1, r1, gsem1)
            gwait(r0, gsem0)
            scat(0, r0)
            @pl.when(j + 2 < WB)
            def _():
                idx_load(j + 2, 0, isem0)
                idx_wait(0, isem0)
                gather(0, r0, gsem0)
            gwait(r1, gsem1)
            scat(1, r1)
            @pl.when(j + 3 < WB)
            def _():
                idx_load(j + 3, 1, isem1)

        plsc.subcore_barrier()

        @pl.when(c == 0)
        def _():
            pltpu.sync_copy(acc.at[pl.ds(s * RPT, RPT)], o0.at[pl.ds(s * RPT, RPT)])

        @pl.when(c == 1)
        def _():
            pltpu.sync_copy(acc.at[pl.ds(s * RPT, RPT)], o1.at[pl.ds(s * RPT, RPT)])

    return prop


_prop128 = _make_prop(128)


@functools.partial(
    pl.kernel,
    mesh=_MESH,
    out_type=(jax.ShapeDtypeStruct((DEG_PAD,), jnp.float32),) * 2,
    scratch_types=[
        pltpu.VMEM((WB, EB), jnp.int32),
        pltpu.VMEM((EB,), jnp.float32),
        pltpu.VMEM_SHARED((DEG_PAD,), jnp.float32),
        pltpu.SemaphoreType.DMA,
    ],
)
def _deg_kernel(dst_hbm, zeros_hbm, ones_hbm, d0, d1, dsts, onesv, deg, isem):
    c = lax.axis_index("c")
    s = lax.axis_index("s")
    w = c * 16 + s

    cp = pltpu.async_copy(dst_hbm.at[w], dsts, isem)
    pltpu.sync_copy(zeros_hbm, deg.at[pl.ds(s * DEG_RPT, DEG_RPT)])
    pltpu.sync_copy(ones_hbm, onesv)
    cp.wait()
    plsc.subcore_barrier()

    @pl.loop(0, WB)
    def _(j):
        pltpu.sync_copy(onesv, deg.at[dsts.at[j]], add=True)

    plsc.subcore_barrier()

    @pl.when(c == 0)
    def _():
        pltpu.sync_copy(deg.at[pl.ds(s * DEG_RPT, DEG_RPT)], d0.at[pl.ds(s * DEG_RPT, DEG_RPT)])

    @pl.when(c == 1)
    def _():
        pltpu.sync_copy(deg.at[pl.ds(s * DEG_RPT, DEG_RPT)], d1.at[pl.ds(s * DEG_RPT, DEG_RPT)])



BR = 1264


def _tc1_body(d0_ref, d1_ref, x_ref, xs_ref):
    deg = 1.0 + d0_ref[...] + d1_ref[...]
    dis = lax.rsqrt(deg)
    xs_ref[...] = jnp.broadcast_to(dis, (BR, 128)) * x_ref[...]


def _tc1(d0, d1, x):
    return pl.pallas_call(
        _tc1_body,
        grid=(NP // BR,),
        in_specs=[
            pl.BlockSpec((BR, 1), lambda i: (i, 0)),
            pl.BlockSpec((BR, 1), lambda i: (i, 0)),
            pl.BlockSpec((BR, 128), lambda i: (i, 0)),
        ],
        out_specs=pl.BlockSpec((BR, 128), lambda i: (i, 0)),
        out_shape=jax.ShapeDtypeStruct((NP, 128), jnp.float32),
    )(d0, d1, x)


def _tc2_body(d0_ref, d1_ref, p0_ref, p1_ref, xs_ref, w1_ref, b1_ref, w2_ref, out_ref):
    dis = lax.rsqrt(1.0 + d0_ref[...] + d1_ref[...])
    s1 = jnp.broadcast_to(dis, (BR, 128)) * (p0_ref[...] + p1_ref[...] + xs_ref[...])
    h1 = jnp.dot(s1, w1_ref[...], preferred_element_type=jnp.float32) + b1_ref[...]
    h1 = jnp.maximum(h1, 0.0)
    h2 = jnp.dot(h1, w2_ref[...], preferred_element_type=jnp.float32)
    h2s = jnp.broadcast_to(dis, (BR, 64)) * h2
    out_ref[...] = jnp.concatenate([h2s, jnp.zeros((BR, 64), jnp.float32)], axis=1)


def _tc2(d0, d1, p0, p1, xs, W1, b1, W2):
    return pl.pallas_call(
        _tc2_body,
        grid=(NP // BR,),
        in_specs=[
            pl.BlockSpec((BR, 1), lambda i: (i, 0)),
            pl.BlockSpec((BR, 1), lambda i: (i, 0)),
            pl.BlockSpec((BR, 128), lambda i: (i, 0)),
            pl.BlockSpec((BR, 128), lambda i: (i, 0)),
            pl.BlockSpec((BR, 128), lambda i: (i, 0)),
            pl.BlockSpec((128, 256), lambda i: (0, 0)),
            pl.BlockSpec((1, 256), lambda i: (0, 0)),
            pl.BlockSpec((256, 64), lambda i: (0, 0)),
        ],
        out_specs=pl.BlockSpec((BR, 128), lambda i: (i, 0)),
        out_shape=jax.ShapeDtypeStruct((NP, 128), jnp.float32),
    )(d0, d1, p0, p1, xs, W1, b1, W2)


def _tc3_body(d0_ref, d1_ref, q0_ref, q1_ref, h2s_ref, b2_ref, out_ref):
    dis = lax.rsqrt(1.0 + d0_ref[...] + d1_ref[...])
    t = q0_ref[...] + q1_ref[...] + h2s_ref[...]
    o = jnp.broadcast_to(dis, (BR, 64)) * t[:, :64] + b2_ref[...]
    m = jnp.max(o, axis=1, keepdims=True)
    e = jnp.exp(o - m)
    lse = jnp.log(jnp.sum(e, axis=1, keepdims=True))
    out_ref[...] = o - m - lse


def _tc3(d0, d1, q0, q1, h2s, b2):
    return pl.pallas_call(
        _tc3_body,
        grid=(NP // BR,),
        in_specs=[
            pl.BlockSpec((BR, 1), lambda i: (i, 0)),
            pl.BlockSpec((BR, 1), lambda i: (i, 0)),
            pl.BlockSpec((BR, 128), lambda i: (i, 0)),
            pl.BlockSpec((BR, 128), lambda i: (i, 0)),
            pl.BlockSpec((BR, 128), lambda i: (i, 0)),
            pl.BlockSpec((1, 64), lambda i: (0, 0)),
        ],
        out_specs=pl.BlockSpec((BR, 64), lambda i: (i, 0)),
        out_shape=jax.ShapeDtypeStruct((N, 64), jnp.float32),
    )(d0, d1, q0, q1, h2s, b2)


def kernel(x, edge_index, W1, b1, W2, b2):
    ei = edge_index.astype(jnp.int32)
    npad = E_PAD - E
    pad_src = jnp.arange(npad, dtype=jnp.int32) % N
    pad_dst = N + jnp.arange(npad, dtype=jnp.int32) % (NP - N)
    src_flat = jnp.concatenate([ei[0], pad_src])
    dst_flat = jnp.concatenate([ei[1], pad_dst])
    src2d = src_flat.reshape(NBLK, EB)
    dst2d = dst_flat.reshape(NBLK, EB)
    dst3d = dst_flat.reshape(NW, WB, EB)

    zeros_deg = jnp.zeros((DEG_RPT,), jnp.float32)
    ones_e = jnp.ones((EB,), jnp.float32)
    zeros128 = jnp.zeros((RPT, 128), jnp.float32)

    d0, d1 = _deg_kernel(dst3d, zeros_deg, ones_e)
    d0c = d0[:, None]
    d1c = d1[:, None]
    xs = _tc1(d0c, d1c, x)

    p0, p1 = _prop128(src2d, dst2d, xs, zeros128)
    h2s = _tc2(d0c, d1c, p0, p1, xs, W1, b1[None, :], W2)

    q0, q1 = _prop128(src2d, dst2d, h2s, zeros128)
    return _tc3(d0c, d1c, q0, q1, h2s, b2[None, :])

# --- scband reference (transcript-rebuilt; emitter-appended) ---
"""Pipeline reference for scband-gcn-33045478376056 (READ-ONLY COPY).

The authoritative reference and input builder live on the scoring server;
editing this copy changes nothing except your own understanding.
"""

import jax, jax.numpy as jnp
import numpy as np

N_NODES = 10000


def gcn_conv(x, edge_index, W, b):
    num_nodes = x.shape[0]
    src = edge_index[0]
    dst = edge_index[1]
    # add self loops (GCNConv default add_self_loops=True)
    loop = jnp.arange(num_nodes, dtype=edge_index.dtype)
    src = jnp.concatenate([src, loop])
    dst = jnp.concatenate([dst, loop])
    # symmetric normalization: deg computed over incoming edges (weight 1)
    deg = jnp.zeros((num_nodes,), dtype=x.dtype).at[dst].add(1.0)
    deg_inv_sqrt = jnp.where(deg > 0, jax.lax.rsqrt(deg), 0.0)
    norm = deg_inv_sqrt[src] * deg_inv_sqrt[dst]
    # linear transform then propagate (same math as PyG GCNConv)
    h = x @ W
    msg = h[src] * norm[:, None]
    out = jax.ops.segment_sum(msg, dst, num_segments=num_nodes)
    return out + b


def setup_inputs(seed: int = 0) -> dict:
    key = jax.random.key(seed)
    k_x, k_e, k_w1, k_b1, k_w2, k_b2 = jax.random.split(key, 6)
    in_c, hid_c, out_c = 128, 256, 64
    x = jax.random.normal(k_x, (N_NODES, in_c), dtype=jnp.float32)
    edge_index = jax.random.randint(k_e, (2, 320000), 0, N_NODES, dtype=jnp.int64)
    # glorot-style init for GCNConv weights, zeros for bias
    W1 = jax.random.normal(k_w1, (in_c, hid_c), dtype=jnp.float32) * (1.0 / np.sqrt(in_c))
    b1 = jnp.zeros((hid_c,), dtype=jnp.float32)
    W2 = jax.random.normal(k_w2, (hid_c, out_c), dtype=jnp.float32) * (1.0 / np.sqrt(hid_c))
    b2 = jnp.zeros((out_c,), dtype=jnp.float32)
    return {"x": x, "edge_index": edge_index, "W1": W1, "b1": b1, "W2": W2, "b2": b2}


def reference(x, edge_index, W1, b1, W2, b2):
    h = jax.nn.relu(gcn_conv(x, edge_index, W1, b1))
    # F.dropout(training=self.training): module evaluated in eval mode -> identity
    out = gcn_conv(h, edge_index, W2, b2)
    return jax.nn.log_softmax(out, axis=1)

if __name__ == "__main__":
    import jax
    _d = setup_inputs()
    print(jax.jit(kernel)(*tuple(_d.values())))

</pallas_src>

<mosaic_0001>
#map = affine_map<(d0, d1) -> (0, 0, 0)>
#map1 = affine_map<(d0, d1) -> (0)>
module attributes {stable_mosaic.version = 14 : i64} {
  func.func @_deg_kernel(%arg0: i32, %arg1: i32, %arg2: memref<32x80x128xi32, #tpu.memory_space<hbm>>, %arg3: memref<640xf32, #tpu.memory_space<hbm>>, %arg4: memref<128xf32, #tpu.memory_space<hbm>>, %arg5: memref<10240xf32, #tpu.memory_space<hbm>>, %arg6: memref<10240xf32, #tpu.memory_space<hbm>>, %arg7: memref<80x128xi32, #tpu.memory_space<vmem>>, %arg8: memref<128xf32, #tpu.memory_space<vmem>>, %arg9: memref<10240xf32, #tpu.memory_space<vmem_shared>>, %arg10: memref<!tpu.dma_semaphore, #tpu.memory_space<semaphore_mem>>) attributes {dimension_semantics = [#tpu.dimension_semantics<core_parallel>, #tpu.dimension_semantics<subcore_parallel>], iteration_bounds = array<i64: 2, 16>, scalar_prefetch = 0 : i64, scratch_operands = 4 : i64, tpu.core_type = #tpu.core_type<sc_vector_subcore>, window_params = [{transform_indices = #map}, {transform_indices = #map1}, {transform_indices = #map1}, {transform_indices = #map1}, {transform_indices = #map1}]} {
    %mul3A = arith.constant 16 : i32
    %mul3A_0 = arith.muli %arg0, %mul3A : i32
    %add3A = arith.addi %mul3A_0, %arg1 : i32
    %dma_start3A = arith.constant 0 : i32
    %dma_start3A_1 = arith.constant 0 : i32
    %dma_start3A_2 = tpu.memref_slice %arg2[%add3A, %dma_start3A, %dma_start3A_1] : memref<32x80x128xi32, #tpu.memory_space<hbm>> -> memref<1x80x128xi32, #tpu.memory_space<hbm>>
    %dma_start3A_3 = tpu.memref_squeeze %dma_start3A_2 : memref<1x80x128xi32, #tpu.memory_space<hbm>> -> memref<80x128xi32, #tpu.memory_space<hbm>>
    %dma_start3A_4 = arith.constant 0 : i32
    %dma_start3A_5 = arith.constant 0 : i32
    %dma_start3A_6 = tpu.memref_slice %arg2[%add3A, %dma_start3A_4, %dma_start3A_5] : memref<32x80x128xi32, #tpu.memory_space<hbm>> -> memref<1x80x128xi32, #tpu.memory_space<hbm>>
    %dma_start3A_7 = tpu.memref_squeeze %dma_start3A_6 : memref<1x80x128xi32, #tpu.memory_space<hbm>> -> memref<80x128xi32, #tpu.memory_space<hbm>>
    tpu.enqueue_dma source(%dma_start3A_7 : memref<80x128xi32, #tpu.memory_space<hbm>>) target(%arg7 : memref<80x128xi32, #tpu.memory_space<vmem>>) target_semaphore(%arg10 : memref<!tpu.dma_semaphore, #tpu.memory_space<semaphore_mem>>)
    %mul3A_8 = arith.constant 640 : i32
    %mul3A_9 = arith.muli %arg1, %mul3A_8 : i32
    "tpu.region"() ({
      %run_scoped3A = tpu.sem_alloc : memref<!tpu.dma_semaphore, #tpu.memory_space<semaphore_mem>>
      %dma_start3A_29 = tpu.memref_slice %arg9[%mul3A_9] : memref<10240xf32, #tpu.memory_space<vmem_shared>> -> memref<640xf32, #tpu.memory_space<vmem_shared>>
      tpu.enqueue_dma source(%arg3 : memref<640xf32, #tpu.memory_space<hbm>>) target(%dma_start3A_29 : memref<640xf32, #tpu.memory_space<vmem_shared>>) target_semaphore(%run_scoped3A : memref<!tpu.dma_semaphore, #tpu.memory_space<semaphore_mem>>)
      %dma_wait3A_30 = tpu.memref_slice %arg9[%mul3A_9] : memref<10240xf32, #tpu.memory_space<vmem_shared>> -> memref<640xf32, #tpu.memory_space<vmem_shared>>
      tpu.wait_dma2 semaphore(%run_scoped3A : memref<!tpu.dma_semaphore, #tpu.memory_space<semaphore_mem>>) src(%arg3 : memref<640xf32, #tpu.memory_space<hbm>>) dst(%dma_wait3A_30 : memref<640xf32, #tpu.memory_space<vmem_shared>>)
      tpu.yield
    }) : () -> ()
    "tpu.region"() ({
      %run_scoped3A = tpu.sem_alloc : memref<!tpu.dma_semaphore, #tpu.memory_space<semaphore_mem>>
      tpu.enqueue_dma source(%arg4 : memref<128xf32, #tpu.memory_space<hbm>>) target(%arg8 : memref<128xf32, #tpu.memory_space<vmem>>) target_semaphore(%run_scoped3A : memref<!tpu.dma_semaphore, #tpu.memory_space<semaphore_mem>>)
      tpu.wait_dma2 semaphore(%run_scoped3A : memref<!tpu.dma_semaphore, #tpu.memory_space<semaphore_mem>>) src(%arg4 : memref<128xf32, #tpu.memory_space<hbm>>) dst(%arg8 : memref<128xf32, #tpu.memory_space<vmem>>)
      tpu.yield
    }) : () -> ()
    %dma_wait3A = arith.constant 0 : i32
    %dma_wait3A_10 = arith.constant 0 : i32
    %dma_wait3A_11 = tpu.memref_slice %arg2[%add3A, %dma_wait3A, %dma_wait3A_10] : memref<32x80x128xi32, #tpu.memory_space<hbm>> -> memref<1x80x128xi32, #tpu.memory_space<hbm>>
    %dma_wait3A_12 = tpu.memref_squeeze %dma_wait3A_11 : memref<1x80x128xi32, #tpu.memory_space<hbm>> -> memref<80x128xi32, #tpu.memory_space<hbm>>
    %dma_wait3A_13 = arith.constant 0 : i32
    %dma_wait3A_14 = arith.constant 0 : i32
    %dma_wait3A_15 = tpu.memref_slice %arg2[%add3A, %dma_wait3A_13, %dma_wait3A_14] : memref<32x80x128xi32, #tpu.memory_space<hbm>> -> memref<1x80x128xi32, #tpu.memory_space<hbm>>
    %dma_wait3A_16 = tpu.memref_squeeze %dma_wait3A_15 : memref<1x80x128xi32, #tpu.memory_space<hbm>> -> memref<80x128xi32, #tpu.memory_space<hbm>>
    tpu.wait_dma2 semaphore(%arg10 : memref<!tpu.dma_semaphore, #tpu.memory_space<semaphore_mem>>) src(%dma_wait3A_16 : memref<80x128xi32, #tpu.memory_space<hbm>>) dst(%arg7 : memref<80x128xi32, #tpu.memory_space<vmem>>)
    %barrier3A = arith.constant 0 : index
    tpu.barrier barrier_id(%barrier3A)
    %scan3A = arith.constant 0 : i32
    %scan3A_17 = arith.constant 80 : i32
    %scan3A_18 = arith.addi %scan3A, %scan3A_17 : i32
    %scan3A_19 = arith.constant 1 : i32
    scf.for %scan3A_29 = %scan3A to %scan3A_18 step %scan3A_19  : i32 {
      %mul3A_30 = arith.constant 1 : i32
      %mul3A_31 = arith.muli %scan3A_29, %mul3A_30 : i32
      %add3A_32 = arith.constant 0 : i32
      %add3A_33 = arith.addi %add3A_32, %mul3A_31 : i32
      "tpu.region"() ({
        %run_scoped3A = tpu.sem_alloc : memref<!tpu.dma_semaphore, #tpu.memory_space<semaphore_mem>>
        %dma_start3A_34 = arith.constant 0 : i32
        %dma_start3A_35 = tpu.memref_slice %arg7[%add3A_33, %dma_start3A_34] : memref<80x128xi32, #tpu.memory_space<vmem>> -> memref<1x128xi32, #tpu.memory_space<vmem>>
        %dma_start3A_36 = tpu.memref_squeeze %dma_start3A_35 : memref<1x128xi32, #tpu.memory_space<vmem>> -> memref<128xi32, #tpu.memory_space<vmem>>
        %dma_start3A_37 = arith.constant 0 : i32
        %dma_start3A_38 = tpu.memref_slice %arg9[%dma_start3A_37] : memref<10240xf32, #tpu.memory_space<vmem_shared>> -> memref<10240xf32, #tpu.memory_space<vmem_shared>>
        tpu.enqueue_indirect_dma source(%arg8 : memref<128xf32, #tpu.memory_space<vmem>>) target(%dma_start3A_38 : memref<10240xf32, #tpu.memory_space<vmem_shared>>) offsets(%dma_start3A_36 : memref<128xi32, #tpu.memory_space<vmem>>) semaphore(%run_scoped3A : memref<!tpu.dma_semaphore, #tpu.memory_space<semaphore_mem>>) {add = true}
        %dma_wait3A_39 = arith.constant 0 : i32
        %dma_wait3A_40 = tpu.memref_slice %arg7[%add3A_33, %dma_wait3A_39] : memref<80x128xi32, #tpu.memory_space<vmem>> -> memref<1x128xi32, #tpu.memory_space<vmem>>
        %dma_wait3A_41 = tpu.memref_squeeze %dma_wait3A_40 : memref<1x128xi32, #tpu.memory_space<vmem>> -> memref<128xi32, #tpu.memory_space<vmem>>
        %dma_wait3A_42 = arith.constant 0 : i32
        %dma_wait3A_43 = tpu.memref_slice %arg9[%dma_wait3A_42] : memref<10240xf32, #tpu.memory_space<vmem_shared>> -> memref<10240xf32, #tpu.memory_space<vmem_shared>>
        tpu.wait_indirect_dma semaphore(%run_scoped3A : memref<!tpu.dma_semaphore, #tpu.memory_space<semaphore_mem>>) src(%arg8 : memref<128xf32, #tpu.memory_space<vmem>>) dst(%dma_wait3A_43 : memref<10240xf32, #tpu.memory_space<vmem_shared>>)
        tpu.yield
      }) : () -> ()
    }
    %scan3A_20 = arith.constant 80 : i32
    %barrier3A_21 = arith.constant 0 : index
    tpu.barrier barrier_id(%barrier3A_21)
    %eq3A = arith.constant 0 : i32
    %eq3A_22 = arith.cmpi eq, %arg0, %eq3A : i32
    %convert_element_type3A = arith.extui %eq3A_22 : i1 to i32
    %cond3A = arith.constant 0 : i32
    %cond3A_23 = arith.cmpi ne, %convert_element_type3A, %cond3A : i32
    scf.if %cond3A_23 {
      %mul3A_29 = arith.constant 640 : i32
      %mul3A_30 = arith.muli %arg1, %mul3A_29 : i32
      %mul3A_31 = arith.constant 640 : i32
      %mul3A_32 = arith.muli %arg1, %mul3A_31 : i32
      "tpu.region"() ({
        %run_scoped3A = tpu.sem_alloc : memref<!tpu.dma_semaphore, #tpu.memory_space<semaphore_mem>>
        %dma_start3A_33 = tpu.memref_slice %arg5[%mul3A_32] : memref<10240xf32, #tpu.memory_space<hbm>> -> memref<640xf32, #tpu.memory_space<hbm>>
        %dma_start3A_34 = tpu.memref_slice %arg9[%mul3A_30] : memref<10240xf32, #tpu.memory_space<vmem_shared>> -> memref<640xf32, #tpu.memory_space<vmem_shared>>
        tpu.enqueue_dma source(%dma_start3A_34 : memref<640xf32, #tpu.memory_space<vmem_shared>>) target(%dma_start3A_33 : memref<640xf32, #tpu.memory_space<hbm>>) target_semaphore(%run_scoped3A : memref<!tpu.dma_semaphore, #tpu.memory_space<semaphore_mem>>)
        %dma_wait3A_35 = tpu.memref_slice %arg5[%mul3A_32] : memref<10240xf32, #tpu.memory_space<hbm>> -> memref<640xf32, #tpu.memory_space<hbm>>
        %dma_wait3A_36 = tpu.memref_slice %arg9[%mul3A_30] : memref<10240xf32, #tpu.memory_space<vmem_shared>> -> memref<640xf32, #tpu.memory_space<vmem_shared>>
        tpu.wait_dma2 semaphore(%run_scoped3A : memref<!tpu.dma_semaphore, #tpu.memory_space<semaphore_mem>>) src(%dma_wait3A_36 : memref<640xf32, #tpu.memory_space<vmem_shared>>) dst(%dma_wait3A_35 : memref<640xf32, #tpu.memory_space<hbm>>)
        tpu.yield
      }) : () -> ()
    } else {
    }
    %eq3A_24 = arith.constant 1 : i32
    %eq3A_25 = arith.cmpi eq, %arg0, %eq3A_24 : i32
    %convert_element_type3A_26 = arith.extui %eq3A_25 : i1 to i32
    %cond3A_27 = arith.constant 0 : i32
    %cond3A_28 = arith.cmpi ne, %convert_element_type3A_26, %cond3A_27 : i32
    scf.if %cond3A_28 {
      %mul3A_29 = arith.constant 640 : i32
      %mul3A_30 = arith.muli %arg1, %mul3A_29 : i32
      %mul3A_31 = arith.constant 640 : i32
      %mul3A_32 = arith.muli %arg1, %mul3A_31 : i32
      "tpu.region"() ({
        %run_scoped3A = tpu.sem_alloc : memref<!tpu.dma_semaphore, #tpu.memory_space<semaphore_mem>>
        %dma_start3A_33 = tpu.memref_slice %arg6[%mul3A_32] : memref<10240xf32, #tpu.memory_space<hbm>> -> memref<640xf32, #tpu.memory_space<hbm>>
        %dma_start3A_34 = tpu.memref_slice %arg9[%mul3A_30] : memref<10240xf32, #tpu.memory_space<vmem_shared>> -> memref<640xf32, #tpu.memory_space<vmem_shared>>
        tpu.enqueue_dma source(%dma_start3A_34 : memref<640xf32, #tpu.memory_space<vmem_shared>>) target(%dma_start3A_33 : memref<640xf32, #tpu.memory_space<hbm>>) target_semaphore(%run_scoped3A : memref<!tpu.dma_semaphore, #tpu.memory_space<semaphore_mem>>)
        %dma_wait3A_35 = tpu.memref_slice %arg6[%mul3A_32] : memref<10240xf32, #tpu.memory_space<hbm>> -> memref<640xf32, #tpu.memory_space<hbm>>
        %dma_wait3A_36 = tpu.memref_slice %arg9[%mul3A_30] : memref<10240xf32, #tpu.memory_space<vmem_shared>> -> memref<640xf32, #tpu.memory_space<vmem_shared>>
        tpu.wait_dma2 semaphore(%run_scoped3A : memref<!tpu.dma_semaphore, #tpu.memory_space<semaphore_mem>>) src(%dma_wait3A_36 : memref<640xf32, #tpu.memory_space<vmem_shared>>) dst(%dma_wait3A_35 : memref<640xf32, #tpu.memory_space<hbm>>)
        tpu.yield
      }) : () -> ()
    } else {
    }
    return
  }
}

#map = affine_map<(d0, d1) -> (0, 0)>
module attributes {stable_mosaic.version = 14 : i64} {
  func.func @prop(%arg0: i32, %arg1: i32, %arg2: memref<2560x128xi32, #tpu.memory_space<hbm>>, %arg3: memref<2560x128xi32, #tpu.memory_space<hbm>>, %arg4: memref<10112x128xf32, #tpu.memory_space<hbm>>, %arg5: memref<632x128xf32, #tpu.memory_space<hbm>>, %arg6: memref<10112x128xf32, #tpu.memory_space<hbm>>, %arg7: memref<10112x128xf32, #tpu.memory_space<hbm>>, %arg8: memref<128xi32, #tpu.memory_space<vmem>>, %arg9: memref<128xi32, #tpu.memory_space<vmem>>, %arg10: memref<1x128xi32, #tpu.memory_space<vmem>>, %arg11: memref<1x128xi32, #tpu.memory_space<vmem>>, %arg12: memref<128x128xf32, #tpu.memory_space<vmem>>, %arg13: memref<128x128xf32, #tpu.memory_space<vmem>>, %arg14: memref<10112x128xf32, #tpu.memory_space<vmem_shared>>, %arg15: memref<!tpu.dma_semaphore, #tpu.memory_space<semaphore_mem>>, %arg16: memref<!tpu.dma_semaphore, #tpu.memory_space<semaphore_mem>>, %arg17: memref<!tpu.dma_semaphore, #tpu.memory_space<semaphore_mem>>, %arg18: memref<!tpu.dma_semaphore, #tpu.memory_space<semaphore_mem>>) attributes {dimension_semantics = [#tpu.dimension_semantics<core_parallel>, #tpu.dimension_semantics<subcore_parallel>], iteration_bounds = array<i64: 2, 16>, scalar_prefetch = 0 : i64, scratch_operands = 11 : i64, tpu.core_type = #tpu.core_type<sc_vector_subcore>, window_params = [{transform_indices = #map}, {transform_indices = #map}, {transform_indices = #map}, {transform_indices = #map}, {transform_indices = #map}, {transform_indices = #map}]} {
    %mul3A = arith.constant 16 : i32
    %mul3A_0 = arith.muli %arg0, %mul3A : i32
    %add3A = arith.addi %mul3A_0, %arg1 : i32
    %add3A_1 = arith.constant 0 : i32
    %add3A_2 = arith.addi %add3A, %add3A_1 : i32
    %dma_start3A = arith.constant 0 : i32
    %dma_start3A_3 = tpu.memref_slice %arg2[%add3A_2, %dma_start3A] : memref<2560x128xi32, #tpu.memory_space<hbm>> -> memref<1x128xi32, #tpu.memory_space<hbm>>
    %dma_start3A_4 = tpu.memref_squeeze %dma_start3A_3 : memref<1x128xi32, #tpu.memory_space<hbm>> -> memref<128xi32, #tpu.memory_space<hbm>>
    %dma_start3A_5 = arith.constant 0 : i32
    %dma_start3A_6 = tpu.memref_slice %arg2[%add3A_2, %dma_start3A_5] : memref<2560x128xi32, #tpu.memory_space<hbm>> -> memref<1x128xi32, #tpu.memory_space<hbm>>
    %dma_start3A_7 = tpu.memref_squeeze %dma_start3A_6 : memref<1x128xi32, #tpu.memory_space<hbm>> -> memref<128xi32, #tpu.memory_space<hbm>>
    tpu.enqueue_dma source(%dma_start3A_7 : memref<128xi32, #tpu.memory_space<hbm>>) target(%arg8 : memref<128xi32, #tpu.memory_space<vmem>>) target_semaphore(%arg15 : memref<!tpu.dma_semaphore, #tpu.memory_space<semaphore_mem>>)
    %dma_start3A_8 = arith.constant 0 : i32
    %dma_start3A_9 = arith.constant 0 : i32
    %dma_start3A_10 = tpu.memref_slice %arg10[%dma_start3A_8, %dma_start3A_9] : memref<1x128xi32, #tpu.memory_space<vmem>> -> memref<1x128xi32, #tpu.memory_space<vmem>>
    %dma_start3A_11 = tpu.memref_squeeze %dma_start3A_10 : memref<1x128xi32, #tpu.memory_space<vmem>> -> memref<128xi32, #tpu.memory_space<vmem>>
    %dma_start3A_12 = arith.constant 0 : i32
    %dma_start3A_13 = tpu.memref_slice %arg3[%add3A_2, %dma_start3A_12] : memref<2560x128xi32, #tpu.memory_space<hbm>> -> memref<1x128xi32, #tpu.memory_space<hbm>>
    %dma_start3A_14 = tpu.memref_squeeze %dma_start3A_13 : memref<1x128xi32, #tpu.memory_space<hbm>> -> memref<128xi32, #tpu.memory_space<hbm>>
    %dma_start3A_15 = arith.constant 0 : i32
    %dma_start3A_16 = tpu.memref_slice %arg10[%dma_start3A_8, %dma_start3A_15] : memref<1x128xi32, #tpu.memory_space<vmem>> -> memref<1x128xi32, #tpu.memory_space<vmem>>
    %dma_start3A_17 = tpu.memref_squeeze %dma_start3A_16 : memref<1x128xi32, #tpu.memory_space<vmem>> -> memref<128xi32, #tpu.memory_space<vmem>>
    %dma_start3A_18 = arith.constant 0 : i32
    %dma_start3A_19 = tpu.memref_slice %arg3[%add3A_2, %dma_start3A_18] : memref<2560x128xi32, #tpu.memory_space<hbm>> -> memref<1x128xi32, #tpu.memory_space<hbm>>
    %dma_start3A_20 = tpu.memref_squeeze %dma_start3A_19 : memref<1x128xi32, #tpu.memory_space<hbm>> -> memref<128xi32, #tpu.memory_space<hbm>>
    tpu.enqueue_dma source(%dma_start3A_20 : memref<128xi32, #tpu.memory_space<hbm>>) target(%dma_start3A_17 : memref<128xi32, #tpu.memory_space<vmem>>) target_semaphore(%arg15 : memref<!tpu.dma_semaphore, #tpu.memory_space<semaphore_mem>>)
    %mul3A_21 = arith.constant 632 : i32
    %mul3A_22 = arith.muli %arg1, %mul3A_21 : i32
    %dma_start3A_23 = arith.constant 0 : i32
    %dma_start3A_24 = tpu.memref_slice %arg14[%mul3A_22, %dma_start3A_23] : memref<10112x128xf32, #tpu.memory_space<vmem_shared>> -> memref<632x128xf32, #tpu.memory_space<vmem_shared>>
    tpu.enqueue_dma source(%arg5 : memref<632x128xf32, #tpu.memory_space<hbm>>) target(%dma_start3A_24 : memref<632x128xf32, #tpu.memory_space<vmem_shared>>) target_semaphore(%arg16 : memref<!tpu.dma_semaphore, #tpu.memory_space<semaphore_mem>>)
    %dma_wait3A = arith.constant 0 : i32
    %dma_wait3A_25 = tpu.memref_slice %arg14[%mul3A_22, %dma_wait3A] : memref<10112x128xf32, #tpu.memory_space<vmem_shared>> -> memref<632x128xf32, #tpu.memory_space<vmem_shared>>
    tpu.wait_dma2 semaphore(%arg16 : memref<!tpu.dma_semaphore, #tpu.memory_space<semaphore_mem>>) src(%arg5 : memref<632x128xf32, #tpu.memory_space<hbm>>) dst(%dma_wait3A_25 : memref<632x128xf32, #tpu.memory_space<vmem_shared>>)
    %barrier3A = arith.constant 0 : index
    tpu.barrier barrier_id(%barrier3A)
    %dma_wait3A_26 = arith.constant 0 : i32
    %dma_wait3A_27 = arith.constant 0 : i32
    %dma_wait3A_28 = tpu.memref_slice %arg2[%dma_wait3A_26, %dma_wait3A_27] : memref<2560x128xi32, #tpu.memory_space<hbm>> -> memref<1x128xi32, #tpu.memory_space<hbm>>
    %dma_wait3A_29 = tpu.memref_squeeze %dma_wait3A_28 : memref<1x128xi32, #tpu.memory_space<hbm>> -> memref<128xi32, #tpu.memory_space<hbm>>
    %dma_wait3A_30 = arith.constant 0 : i32
    %dma_wait3A_31 = tpu.memref_slice %arg2[%dma_wait3A_26, %dma_wait3A_30] : memref<2560x128xi32, #tpu.memory_space<hbm>> -> memref<1x128xi32, #tpu.memory_space<hbm>>
    %dma_wait3A_32 = tpu.memref_squeeze %dma_wait3A_31 : memref<1x128xi32, #tpu.memory_space<hbm>> -> memref<128xi32, #tpu.memory_space<hbm>>
    tpu.wait_dma2 semaphore(%arg15 : memref<!tpu.dma_semaphore, #tpu.memory_space<semaphore_mem>>) src(%dma_wait3A_32 : memref<128xi32, #tpu.memory_space<hbm>>) dst(%arg8 : memref<128xi32, #tpu.memory_space<vmem>>)
    %dma_wait3A_33 = arith.constant 0 : i32
    %dma_wait3A_34 = arith.constant 0 : i32
    %dma_wait3A_35 = arith.constant 0 : i32
    %dma_wait3A_36 = tpu.memref_slice %arg10[%dma_wait3A_34, %dma_wait3A_35] : memref<1x128xi32, #tpu.memory_space<vmem>> -> memref<1x128xi32, #tpu.memory_space<vmem>>
    %dma_wait3A_37 = tpu.memref_squeeze %dma_wait3A_36 : memref<1x128xi32, #tpu.memory_space<vmem>> -> memref<128xi32, #tpu.memory_space<vmem>>
    %dma_wait3A_38 = arith.constant 0 : i32
    %dma_wait3A_39 = tpu.memref_slice %arg2[%dma_wait3A_33, %dma_wait3A_38] : memref<2560x128xi32, #tpu.memory_space<hbm>> -> memref<1x128xi32, #tpu.memory_space<hbm>>
    %dma_wait3A_40 = tpu.memref_squeeze %dma_wait3A_39 : memref<1x128xi32, #tpu.memory_space<hbm>> -> memref<128xi32, #tpu.memory_space<hbm>>
    %dma_wait3A_41 = arith.constant 0 : i32
    %dma_wait3A_42 = tpu.memref_slice %arg10[%dma_wait3A_34, %dma_wait3A_41] : memref<1x128xi32, #tpu.memory_space<vmem>> -> memref<1x128xi32, #tpu.memory_space<vmem>>
    %dma_wait3A_43 = tpu.memref_squeeze %dma_wait3A_42 : memref<1x128xi32, #tpu.memory_space<vmem>> -> memref<128xi32, #tpu.memory_space<vmem>>
    %dma_wait3A_44 = arith.constant 0 : i32
    %dma_wait3A_45 = tpu.memref_slice %arg2[%dma_wait3A_33, %dma_wait3A_44] : memref<2560x128xi32, #tpu.memory_space<hbm>> -> memref<1x128xi32, #tpu.memory_space<hbm>>
    %dma_wait3A_46 = tpu.memref_squeeze %dma_wait3A_45 : memref<1x128xi32, #tpu.memory_space<hbm>> -> memref<128xi32, #tpu.memory_space<hbm>>
    tpu.wait_dma2 semaphore(%arg15 : memref<!tpu.dma_semaphore, #tpu.memory_space<semaphore_mem>>) src(%dma_wait3A_46 : memref<128xi32, #tpu.memory_space<hbm>>) dst(%dma_wait3A_43 : memref<128xi32, #tpu.memory_space<vmem>>)
    %dma_start3A_47 = arith.constant 0 : i32
    %dma_start3A_48 = arith.constant 0 : i32
    %dma_start3A_49 = tpu.memref_slice %arg4[%dma_start3A_47, %dma_start3A_48] : memref<10112x128xf32, #tpu.memory_space<hbm>> -> memref<10112x128xf32, #tpu.memory_space<hbm>>
    tpu.enqueue_indirect_dma source(%dma_start3A_49 : memref<10112x128xf32, #tpu.memory_space<hbm>>) target(%arg12 : memref<128x128xf32, #tpu.memory_space<vmem>>) offsets(%arg8 : memref<128xi32, #tpu.memory_space<vmem>>) semaphore(%arg17 : memref<!tpu.dma_semaphore, #tpu.memory_space<semaphore_mem>>)
    %add3A_50 = arith.constant 32 : i32
    %add3A_51 = arith.addi %add3A, %add3A_50 : i32
    %dma_start3A_52 = arith.constant 0 : i32
    %dma_start3A_53 = tpu.memref_slice %arg2[%add3A_51, %dma_start3A_52] : memref<2560x128xi32, #tpu.memory_space<hbm>> -> memref<1x128xi32, #tpu.memory_space<hbm>>
    %dma_start3A_54 = tpu.memref_squeeze %dma_start3A_53 : memref<1x128xi32, #tpu.memory_space<hbm>> -> memref<128xi32, #tpu.memory_space<hbm>>
    %dma_start3A_55 = arith.constant 0 : i32
    %dma_start3A_56 = tpu.memref_slice %arg2[%add3A_51, %dma_start3A_55] : memref<2560x128xi32, #tpu.memory_space<hbm>> -> memref<1x128xi32, #tpu.memory_space<hbm>>
    %dma_start3A_57 = tpu.memref_squeeze %dma_start3A_56 : memref<1x128xi32, #tpu.memory_space<hbm>> -> memref<128xi32, #tpu.memory_space<hbm>>
    tpu.enqueue_dma source(%dma_start3A_57 : memref<128xi32, #tpu.memory_space<hbm>>) target(%arg9 : memref<128xi32, #tpu.memory_space<vmem>>) target_semaphore(%arg16 : memref<!tpu.dma_semaphore, #tpu.memory_space<semaphore_mem>>)
    %dma_start3A_58 = arith.constant 0 : i32
    %dma_start3A_59 = arith.constant 0 : i32
    %dma_start3A_60 = tpu.memref_slice %arg11[%dma_start3A_58, %dma_start3A_59] : memref<1x128xi32, #tpu.memory_space<vmem>> -> memref<1x128xi32, #tpu.memory_space<vmem>>
    %dma_start3A_61 = tpu.memref_squeeze %dma_start3A_60 : memref<1x128xi32, #tpu.memory_space<vmem>> -> memref<128xi32, #tpu.memory_space<vmem>>
    %dma_start3A_62 = arith.constant 0 : i32
    %dma_start3A_63 = tpu.memref_slice %arg3[%add3A_51, %dma_start3A_62] : memref<2560x128xi32, #tpu.memory_space<hbm>> -> memref<1x128xi32, #tpu.memory_space<hbm>>
    %dma_start3A_64 = tpu.memref_squeeze %dma_start3A_63 : memref<1x128xi32, #tpu.memory_space<hbm>> -> memref<128xi32, #tpu.memory_space<hbm>>
    %dma_start3A_65 = arith.constant 0 : i32
    %dma_start3A_66 = tpu.memref_slice %arg11[%dma_start3A_58, %dma_start3A_65] : memref<1x128xi32, #tpu.memory_space<vmem>> -> memref<1x128xi32, #tpu.memory_space<vmem>>
    %dma_start3A_67 = tpu.memref_squeeze %dma_start3A_66 : memref<1x128xi32, #tpu.memory_space<vmem>> -> memref<128xi32, #tpu.memory_space<vmem>>
    %dma_start3A_68 = arith.constant 0 : i32
    %dma_start3A_69 = tpu.memref_slice %arg3[%add3A_51, %dma_start3A_68] : memref<2560x128xi32, #tpu.memory_space<hbm>> -> memref<1x128xi32, #tpu.memory_space<hbm>>
    %dma_start3A_70 = tpu.memref_squeeze %dma_start3A_69 : memref<1x128xi32, #tpu.memory_space<hbm>> -> memref<128xi32, #tpu.memory_space<hbm>>
    tpu.enqueue_dma source(%dma_start3A_70 : memref<128xi32, #tpu.memory_space<hbm>>) target(%dma_start3A_67 : memref<128xi32, #tpu.memory_space<vmem>>) target_semaphore(%arg16 : memref<!tpu.dma_semaphore, #tpu.memory_space<semaphore_mem>>)
    %scan3A = arith.constant 0 : i32
    %scan3A_71 = arith.constant 40 : i32
    %scan3A_72 = arith.addi %scan3A, %scan3A_71 : i32
    %scan3A_73 = arith.constant 1 : i32
    scf.for %scan3A_83 = %scan3A to %scan3A_72 step %scan3A_73  : i32 {
      %mul3A_84 = arith.constant 1 : i32
      %mul3A_85 = arith.muli %scan3A_83, %mul3A_84 : i32
      %add3A_86 = arith.constant 0 : i32
      %add3A_87 = arith.addi %add3A_86, %mul3A_85 : i32
      %mul3A_88 = arith.constant 2 : i32
      %mul3A_89 = arith.muli %mul3A_88, %add3A_87 : i32
      %dma_wait3A_90 = arith.constant 0 : i32
      %dma_wait3A_91 = arith.constant 0 : i32
      %dma_wait3A_92 = tpu.memref_slice %arg2[%dma_wait3A_90, %dma_wait3A_91] : memref<2560x128xi32, #tpu.memory_space<hbm>> -> memref<1x128xi32, #tpu.memory_space<hbm>>
      %dma_wait3A_93 = tpu.memref_squeeze %dma_wait3A_92 : memref<1x128xi32, #tpu.memory_space<hbm>> -> memref<128xi32, #tpu.memory_space<hbm>>
      %dma_wait3A_94 = arith.constant 0 : i32
      %dma_wait3A_95 = tpu.memref_slice %arg2[%dma_wait3A_90, %dma_wait3A_94] : memref<2560x128xi32, #tpu.memory_space<hbm>> -> memref<1x128xi32, #tpu.memory_space<hbm>>
      %dma_wait3A_96 = tpu.memref_squeeze %dma_wait3A_95 : memref<1x128xi32, #tpu.memory_space<hbm>> -> memref<128xi32, #tpu.memory_space<hbm>>
      tpu.wait_dma2 semaphore(%arg16 : memref<!tpu.dma_semaphore, #tpu.memory_space<semaphore_mem>>) src(%dma_wait3A_96 : memref<128xi32, #tpu.memory_space<hbm>>) dst(%arg9 : memref<128xi32, #tpu.memory_space<vmem>>)
      %dma_wait3A_97 = arith.constant 0 : i32
      %dma_wait3A_98 = arith.constant 0 : i32
      %dma_wait3A_99 = arith.constant 0 : i32
      %dma_wait3A_100 = tpu.memref_slice %arg11[%dma_wait3A_98, %dma_wait3A_99] : memref<1x128xi32, #tpu.memory_space<vmem>> -> memref<1x128xi32, #tpu.memory_space<vmem>>
      %dma_wait3A_101 = tpu.memref_squeeze %dma_wait3A_100 : memref<1x128xi32, #tpu.memory_space<vmem>> -> memref<128xi32, #tpu.memory_space<vmem>>
      %dma_wait3A_102 = arith.constant 0 : i32
      %dma_wait3A_103 = tpu.memref_slice %arg2[%dma_wait3A_97, %dma_wait3A_102] : memref<2560x128xi32, #tpu.memory_space<hbm>> -> memref<1x128xi32, #tpu.memory_space<hbm>>
      %dma_wait3A_104 = tpu.memref_squeeze %dma_wait3A_103 : memref<1x128xi32, #tpu.memory_space<hbm>> -> memref<128xi32, #tpu.memory_space<hbm>>
      %dma_wait3A_105 = arith.constant 0 : i32
      %dma_wait3A_106 = tpu.memref_slice %arg11[%dma_wait3A_98, %dma_wait3A_105] : memref<1x128xi32, #tpu.memory_space<vmem>> -> memref<1x128xi32, #tpu.memory_space<vmem>>
      %dma_wait3A_107 = tpu.memref_squeeze %dma_wait3A_106 : memref<1x128xi32, #tpu.memory_space<vmem>> -> memref<128xi32, #tpu.memory_space<vmem>>
      %dma_wait3A_108 = arith.constant 0 : i32
      %dma_wait3A_109 = tpu.memref_slice %arg2[%dma_wait3A_97, %dma_wait3A_108] : memref<2560x128xi32, #tpu.memory_space<hbm>> -> memref<1x128xi32, #tpu.memory_space<hbm>>
      %dma_wait3A_110 = tpu.memref_squeeze %dma_wait3A_109 : memref<1x128xi32, #tpu.memory_space<hbm>> -> memref<128xi32, #tpu.memory_space<hbm>>
      tpu.wait_dma2 semaphore(%arg16 : memref<!tpu.dma_semaphore, #tpu.memory_space<semaphore_mem>>) src(%dma_wait3A_110 : memref<128xi32, #tpu.memory_space<hbm>>) dst(%dma_wait3A_107 : memref<128xi32, #tpu.memory_space<vmem>>)
      %dma_start3A_111 = arith.constant 0 : i32
      %dma_start3A_112 = arith.constant 0 : i32
      %dma_start3A_113 = tpu.memref_slice %arg4[%dma_start3A_111, %dma_start3A_112] : memref<10112x128xf32, #tpu.memory_space<hbm>> -> memref<10112x128xf32, #tpu.memory_space<hbm>>
      tpu.enqueue_indirect_dma source(%dma_start3A_113 : memref<10112x128xf32, #tpu.memory_space<hbm>>) target(%arg13 : memref<128x128xf32, #tpu.memory_space<vmem>>) offsets(%arg9 : memref<128xi32, #tpu.memory_space<vmem>>) semaphore(%arg18 : memref<!tpu.dma_semaphore, #tpu.memory_space<semaphore_mem>>)
      %dma_wait3A_114 = arith.constant 0 : i32
      %dma_wait3A_115 = arith.constant 0 : i32
      %dma_wait3A_116 = tpu.memref_slice %arg4[%dma_wait3A_114, %dma_wait3A_115] : memref<10112x128xf32, #tpu.memory_space<hbm>> -> memref<10112x128xf32, #tpu.memory_space<hbm>>
      tpu.wait_indirect_dma semaphore(%arg17 : memref<!tpu.dma_semaphore, #tpu.memory_space<semaphore_mem>>) src(%dma_wait3A_116 : memref<10112x128xf32, #tpu.memory_space<hbm>>) dst(%arg12 : memref<128x128xf32, #tpu.memory_space<vmem>>)
      %run_scoped3A = arith.constant 0 : i32
      "tpu.region"() ({
        %run_scoped3A_134 = tpu.sem_alloc : memref<!tpu.dma_semaphore, #tpu.memory_space<semaphore_mem>>
        %dma_start3A_135 = arith.constant 0 : i32
        %dma_start3A_136 = tpu.memref_slice %arg10[%run_scoped3A, %dma_start3A_135] : memref<1x128xi32, #tpu.memory_space<vmem>> -> memref<1x128xi32, #tpu.memory_space<vmem>>
        %dma_start3A_137 = tpu.memref_squeeze %dma_start3A_136 : memref<1x128xi32, #tpu.memory_space<vmem>> -> memref<128xi32, #tpu.memory_space<vmem>>
        %dma_start3A_138 = arith.constant 0 : i32
        %dma_start3A_139 = arith.constant 0 : i32
        %dma_start3A_140 = tpu.memref_slice %arg14[%dma_start3A_138, %dma_start3A_139] : memref<10112x128xf32, #tpu.memory_space<vmem_shared>> -> memref<10112x128xf32, #tpu.memory_space<vmem_shared>>
        tpu.enqueue_indirect_dma source(%arg12 : memref<128x128xf32, #tpu.memory_space<vmem>>) target(%dma_start3A_140 : memref<10112x128xf32, #tpu.memory_space<vmem_shared>>) offsets(%dma_start3A_137 : memref<128xi32, #tpu.memory_space<vmem>>) semaphore(%run_scoped3A_134 : memref<!tpu.dma_semaphore, #tpu.memory_space<semaphore_mem>>) {add = true}
        %dma_wait3A_141 = arith.constant 0 : i32
        %dma_wait3A_142 = tpu.memref_slice %arg10[%run_scoped3A, %dma_wait3A_141] : memref<1x128xi32, #tpu.memory_space<vmem>> -> memref<1x128xi32, #tpu.memory_space<vmem>>
        %dma_wait3A_143 = tpu.memref_squeeze %dma_wait3A_142 : memref<1x128xi32, #tpu.memory_space<vmem>> -> memref<128xi32, #tpu.memory_space<vmem>>
        %dma_wait3A_144 = arith.constant 0 : i32
        %dma_wait3A_145 = arith.constant 0 : i32
        %dma_wait3A_146 = tpu.memref_slice %arg14[%dma_wait3A_144, %dma_wait3A_145] : memref<10112x128xf32, #tpu.memory_space<vmem_shared>> -> memref<10112x128xf32, #tpu.memory_space<vmem_shared>>
        tpu.wait_indirect_dma semaphore(%run_scoped3A_134 : memref<!tpu.dma_semaphore, #tpu.memory_space<semaphore_mem>>) src(%arg12 : memref<128x128xf32, #tpu.memory_space<vmem>>) dst(%dma_wait3A_146 : memref<10112x128xf32, #tpu.memory_space<vmem_shared>>)
        tpu.yield
      }) : () -> ()
      %add3A_117 = arith.constant 2 : i32
      %add3A_118 = arith.addi %mul3A_89, %add3A_117 : i32
      %lt3A = arith.constant 80 : i32
      %lt3A_119 = arith.cmpi slt, %add3A_118, %lt3A : i32
      %convert_element_type3A_120 = arith.extui %lt3A_119 : i1 to i32
      %cond3A_121 = arith.constant 0 : i32
      %cond3A_122 = arith.cmpi ne, %convert_element_type3A_120, %cond3A_121 : i32
      scf.if %cond3A_122 {
        %add3A_134 = arith.constant 2 : i32
        %add3A_135 = arith.addi %mul3A_89, %add3A_134 : i32
        %mul3A_136 = arith.constant 32 : i32
        %mul3A_137 = arith.muli %add3A_135, %mul3A_136 : i32
        %add3A_138 = arith.addi %add3A, %mul3A_137 : i32
        %dma_start3A_139 = arith.constant 0 : i32
        %dma_start3A_140 = tpu.memref_slice %arg2[%add3A_138, %dma_start3A_139] : memref<2560x128xi32, #tpu.memory_space<hbm>> -> memref<1x128xi32, #tpu.memory_space<hbm>>
        %dma_start3A_141 = tpu.memref_squeeze %dma_start3A_140 : memref<1x128xi32, #tpu.memory_space<hbm>> -> memref<128xi32, #tpu.memory_space<hbm>>
        %dma_start3A_142 = arith.constant 0 : i32
        %dma_start3A_143 = tpu.memref_slice %arg2[%add3A_138, %dma_start3A_142] : memref<2560x128xi32, #tpu.memory_space<hbm>> -> memref<1x128xi32, #tpu.memory_space<hbm>>
        %dma_start3A_144 = tpu.memref_squeeze %dma_start3A_143 : memref<1x128xi32, #tpu.memory_space<hbm>> -> memref<128xi32, #tpu.memory_space<hbm>>
        tpu.enqueue_dma source(%dma_start3A_144 : memref<128xi32, #tpu.memory_space<hbm>>) target(%arg8 : memref<128xi32, #tpu.memory_space<vmem>>) target_semaphore(%arg15 : memref<!tpu.dma_semaphore, #tpu.memory_space<semaphore_mem>>)
        %dma_start3A_145 = arith.constant 0 : i32
        %dma_start3A_146 = arith.constant 0 : i32
        %dma_start3A_147 = tpu.memref_slice %arg10[%dma_start3A_145, %dma_start3A_146] : memref<1x128xi32, #tpu.memory_space<vmem>> -> memref<1x128xi32, #tpu.memory_space<vmem>>
        %dma_start3A_148 = tpu.memref_squeeze %dma_start3A_147 : memref<1x128xi32, #tpu.memory_space<vmem>> -> memref<128xi32, #tpu.memory_space<vmem>>
        %dma_start3A_149 = arith.constant 0 : i32
        %dma_start3A_150 = tpu.memref_slice %arg3[%add3A_138, %dma_start3A_149] : memref<2560x128xi32, #tpu.memory_space<hbm>> -> memref<1x128xi32, #tpu.memory_space<hbm>>
        %dma_start3A_151 = tpu.memref_squeeze %dma_start3A_150 : memref<1x128xi32, #tpu.memory_space<hbm>> -> memref<128xi32, #tpu.memory_space<hbm>>
        %dma_start3A_152 = arith.constant 0 : i32
        %dma_start3A_153 = tpu.memref_slice %arg10[%dma_start3A_145, %dma_start3A_152] : memref<1x128xi32, #tpu.memory_space<vmem>> -> memref<1x128xi32, #tpu.memory_space<vmem>>
        %dma_start3A_154 = tpu.memref_squeeze %dma_start3A_153 : memref<1x128xi32, #tpu.memory_space<vmem>> -> memref<128xi32, #tpu.memory_space<vmem>>
        %dma_start3A_155 = arith.constant 0 : i32
        %dma_start3A_156 = tpu.memref_slice %arg3[%add3A_138, %dma_start3A_155] : memref<2560x128xi32, #tpu.memory_space<hbm>> -> memref<1x128xi32, #tpu.memory_space<hbm>>
        %dma_start3A_157 = tpu.memref_squeeze %dma_start3A_156 : memref<1x128xi32, #tpu.memory_space<hbm>> -> memref<128xi32, #tpu.memory_space<hbm>>
        tpu.enqueue_dma source(%dma_start3A_157 : memref<128xi32, #tpu.memory_space<hbm>>) target(%dma_start3A_154 : memref<128xi32, #tpu.memory_space<vmem>>) target_semaphore(%arg15 : memref<!tpu.dma_semaphore, #tpu.memory_space<semaphore_mem>>)
        %dma_wait3A_158 = arith.constant 0 : i32
        %dma_wait3A_159 = arith.constant 0 : i32
        %dma_wait3A_160 = tpu.memref_slice %arg2[%dma_wait3A_158, %dma_wait3A_159] : memref<2560x128xi32, #tpu.memory_space<hbm>> -> memref<1x128xi32, #tpu.memory_space<hbm>>
        %dma_wait3A_161 = tpu.memref_squeeze %dma_wait3A_160 : memref<1x128xi32, #tpu.memory_space<hbm>> -> memref<128xi32, #tpu.memory_space<hbm>>
        %dma_wait3A_162 = arith.constant 0 : i32
        %dma_wait3A_163 = tpu.memref_slice %arg2[%dma_wait3A_158, %dma_wait3A_162] : memref<2560x128xi32, #tpu.memory_space<hbm>> -> memref<1x128xi32, #tpu.memory_space<hbm>>
        %dma_wait3A_164 = tpu.memref_squeeze %dma_wait3A_163 : memref<1x128xi32, #tpu.memory_space<hbm>> -> memref<128xi32, #tpu.memory_space<hbm>>
        tpu.wait_dma2 semaphore(%arg15 : memref<!tpu.dma_semaphore, #tpu.memory_space<semaphore_mem>>) src(%dma_wait3A_164 : memref<128xi32, #tpu.memory_space<hbm>>) dst(%arg8 : memref<128xi32, #tpu.memory_space<vmem>>)
        %dma_wait3A_165 = arith.constant 0 : i32
        %dma_wait3A_166 = arith.constant 0 : i32
        %dma_wait3A_167 = arith.constant 0 : i32
        %dma_wait3A_168 = tpu.memref_slice %arg10[%dma_wait3A_166, %dma_wait3A_167] : memref<1x128xi32, #tpu.memory_space<vmem>> -> memref<1x128xi32, #tpu.memory_space<vmem>>
        %dma_wait3A_169 = tpu.memref_squeeze %dma_wait3A_168 : memref<1x128xi32, #tpu.memory_space<vmem>> -> memref<128xi32, #tpu.memory_space<vmem>>
        %dma_wait3A_170 = arith.constant 0 : i32
        %dma_wait3A_171 = tpu.memref_slice %arg2[%dma_wait3A_165, %dma_wait3A_170] : memref<2560x128xi32, #tpu.memory_space<hbm>> -> memref<1x128xi32, #tpu.memory_space<hbm>>
        %dma_wait3A_172 = tpu.memref_squeeze %dma_wait3A_171 : memref<1x128xi32, #tpu.memory_space<hbm>> -> memref<128xi32, #tpu.memory_space<hbm>>
        %dma_wait3A_173 = arith.constant 0 : i32
        %dma_wait3A_174 = tpu.memref_slice %arg10[%dma_wait3A_166, %dma_wait3A_173] : memref<1x128xi32, #tpu.memory_space<vmem>> -> memref<1x128xi32, #tpu.memory_space<vmem>>
        %dma_wait3A_175 = tpu.memref_squeeze %dma_wait3A_174 : memref<1x128xi32, #tpu.memory_space<vmem>> -> memref<128xi32, #tpu.memory_space<vmem>>
        %dma_wait3A_176 = arith.constant 0 : i32
        %dma_wait3A_177 = tpu.memref_slice %arg2[%dma_wait3A_165, %dma_wait3A_176] : memref<2560x128xi32, #tpu.memory_space<hbm>> -> memref<1x128xi32, #tpu.memory_space<hbm>>
        %dma_wait3A_178 = tpu.memref_squeeze %dma_wait3A_177 : memref<1x128xi32, #tpu.memory_space<hbm>> -> memref<128xi32, #tpu.memory_space<hbm>>
        tpu.wait_dma2 semaphore(%arg15 : memref<!tpu.dma_semaphore, #tpu.memory_space<semaphore_mem>>) src(%dma_wait3A_178 : memref<128xi32, #tpu.memory_space<hbm>>) dst(%dma_wait3A_175 : memref<128xi32, #tpu.memory_space<vmem>>)
        %dma_start3A_179 = arith.constant 0 : i32
        %dma_start3A_180 = arith.constant 0 : i32
        %dma_start3A_181 = tpu.memref_slice %arg4[%dma_start3A_179, %dma_start3A_180] : memref<10112x128xf32, #tpu.memory_space<hbm>> -> memref<10112x128xf32, #tpu.memory_space<hbm>>
        tpu.enqueue_indirect_dma source(%dma_start3A_181 : memref<10112x128xf32, #tpu.memory_space<hbm>>) target(%arg12 : memref<128x128xf32, #tpu.memory_space<vmem>>) offsets(%arg8 : memref<128xi32, #tpu.memory_space<vmem>>) semaphore(%arg17 : memref<!tpu.dma_semaphore, #tpu.memory_space<semaphore_mem>>)
      } else {
      }
      %dma_wait3A_123 = arith.constant 0 : i32
      %dma_wait3A_124 = arith.constant 0 : i32
      %dma_wait3A_125 = tpu.memref_slice %arg4[%dma_wait3A_123, %dma_wait3A_124] : memref<10112x128xf32, #tpu.memory_space<hbm>> -> memref<10112x128xf32, #tpu.memory_space<hbm>>
      tpu.wait_indirect_dma semaphore(%arg18 : memref<!tpu.dma_semaphore, #tpu.memory_space<semaphore_mem>>) src(%dma_wait3A_125 : memref<10112x128xf32, #tpu.memory_space<hbm>>) dst(%arg13 : memref<128x128xf32, #tpu.memory_space<vmem>>)
      %run_scoped3A_126 = arith.constant 0 : i32
      "tpu.region"() ({
        %run_scoped3A_134 = tpu.sem_alloc : memref<!tpu.dma_semaphore, #tpu.memory_space<semaphore_mem>>
        %dma_start3A_135 = arith.constant 0 : i32
        %dma_start3A_136 = tpu.memref_slice %arg11[%run_scoped3A_126, %dma_start3A_135] : memref<1x128xi32, #tpu.memory_space<vmem>> -> memref<1x128xi32, #tpu.memory_space<vmem>>
        %dma_start3A_137 = tpu.memref_squeeze %dma_start3A_136 : memref<1x128xi32, #tpu.memory_space<vmem>> -> memref<128xi32, #tpu.memory_space<vmem>>
        %dma_start3A_138 = arith.constant 0 : i32
        %dma_start3A_139 = arith.constant 0 : i32
        %dma_start3A_140 = tpu.memref_slice %arg14[%dma_start3A_138, %dma_start3A_139] : memref<10112x128xf32, #tpu.memory_space<vmem_shared>> -> memref<10112x128xf32, #tpu.memory_space<vmem_shared>>
        tpu.enqueue_indirect_dma source(%arg13 : memref<128x128xf32, #tpu.memory_space<vmem>>) target(%dma_start3A_140 : memref<10112x128xf32, #tpu.memory_space<vmem_shared>>) offsets(%dma_start3A_137 : memref<128xi32, #tpu.memory_space<vmem>>) semaphore(%run_scoped3A_134 : memref<!tpu.dma_semaphore, #tpu.memory_space<semaphore_mem>>) {add = true}
        %dma_wait3A_141 = arith.constant 0 : i32
        %dma_wait3A_142 = tpu.memref_slice %arg11[%run_scoped3A_126, %dma_wait3A_141] : memref<1x128xi32, #tpu.memory_space<vmem>> -> memref<1x128xi32, #tpu.memory_space<vmem>>
        %dma_wait3A_143 = tpu.memref_squeeze %dma_wait3A_142 : memref<1x128xi32, #tpu.memory_space<vmem>> -> memref<128xi32, #tpu.memory_space<vmem>>
        %dma_wait3A_144 = arith.constant 0 : i32
        %dma_wait3A_145 = arith.constant 0 : i32
        %dma_wait3A_146 = tpu.memref_slice %arg14[%dma_wait3A_144, %dma_wait3A_145] : memref<10112x128xf32, #tpu.memory_space<vmem_shared>> -> memref<10112x128xf32, #tpu.memory_space<vmem_shared>>
        tpu.wait_indirect_dma semaphore(%run_scoped3A_134 : memref<!tpu.dma_semaphore, #tpu.memory_space<semaphore_mem>>) src(%arg13 : memref<128x128xf32, #tpu.memory_space<vmem>>) dst(%dma_wait3A_146 : memref<10112x128xf32, #tpu.memory_space<vmem_shared>>)
        tpu.yield
      }) : () -> ()
      %add3A_127 = arith.constant 3 : i32
      %add3A_128 = arith.addi %mul3A_89, %add3A_127 : i32
      %lt3A_129 = arith.constant 80 : i32
      %lt3A_130 = arith.cmpi slt, %add3A_128, %lt3A_129 : i32
      %convert_element_type3A_131 = arith.extui %lt3A_130 : i1 to i32
      %cond3A_132 = arith.constant 0 : i32
      %cond3A_133 = arith.cmpi ne, %convert_element_type3A_131, %cond3A_132 : i32
      scf.if %cond3A_133 {
        %add3A_134 = arith.constant 3 : i32
        %add3A_135 = arith.addi %mul3A_89, %add3A_134 : i32
        %mul3A_136 = arith.constant 32 : i32
        %mul3A_137 = arith.muli %add3A_135, %mul3A_136 : i32
        %add3A_138 = arith.addi %add3A, %mul3A_137 : i32
        %dma_start3A_139 = arith.constant 0 : i32
        %dma_start3A_140 = tpu.memref_slice %arg2[%add3A_138, %dma_start3A_139] : memref<2560x128xi32, #tpu.memory_space<hbm>> -> memref<1x128xi32, #tpu.memory_space<hbm>>
        %dma_start3A_141 = tpu.memref_squeeze %dma_start3A_140 : memref<1x128xi32, #tpu.memory_space<hbm>> -> memref<128xi32, #tpu.memory_space<hbm>>
        %dma_start3A_142 = arith.constant 0 : i32
        %dma_start3A_143 = tpu.memref_slice %arg2[%add3A_138, %dma_start3A_142] : memref<2560x128xi32, #tpu.memory_space<hbm>> -> memref<1x128xi32, #tpu.memory_space<hbm>>
        %dma_start3A_144 = tpu.memref_squeeze %dma_start3A_143 : memref<1x128xi32, #tpu.memory_space<hbm>> -> memref<128xi32, #tpu.memory_space<hbm>>
        tpu.enqueue_dma source(%dma_start3A_144 : memref<128xi32, #tpu.memory_space<hbm>>) target(%arg9 : memref<128xi32, #tpu.memory_space<vmem>>) target_semaphore(%arg16 : memref<!tpu.dma_semaphore, #tpu.memory_space<semaphore_mem>>)
        %dma_start3A_145 = arith.constant 0 : i32
        %dma_start3A_146 = arith.constant 0 : i32
        %dma_start3A_147 = tpu.memref_slice %arg11[%dma_start3A_145, %dma_start3A_146] : memref<1x128xi32, #tpu.memory_space<vmem>> -> memref<1x128xi32, #tpu.memory_space<vmem>>
        %dma_start3A_148 = tpu.memref_squeeze %dma_start3A_147 : memref<1x128xi32, #tpu.memory_space<vmem>> -> memref<128xi32, #tpu.memory_space<vmem>>
        %dma_start3A_149 = arith.constant 0 : i32
        %dma_start3A_150 = tpu.memref_slice %arg3[%add3A_138, %dma_start3A_149] : memref<2560x128xi32, #tpu.memory_space<hbm>> -> memref<1x128xi32, #tpu.memory_space<hbm>>
        %dma_start3A_151 = tpu.memref_squeeze %dma_start3A_150 : memref<1x128xi32, #tpu.memory_space<hbm>> -> memref<128xi32, #tpu.memory_space<hbm>>
        %dma_start3A_152 = arith.constant 0 : i32
        %dma_start3A_153 = tpu.memref_slice %arg11[%dma_start3A_145, %dma_start3A_152] : memref<1x128xi32, #tpu.memory_space<vmem>> -> memref<1x128xi32, #tpu.memory_space<vmem>>
        %dma_start3A_154 = tpu.memref_squeeze %dma_start3A_153 : memref<1x128xi32, #tpu.memory_space<vmem>> -> memref<128xi32, #tpu.memory_space<vmem>>
        %dma_start3A_155 = arith.constant 0 : i32
        %dma_start3A_156 = tpu.memref_slice %arg3[%add3A_138, %dma_start3A_155] : memref<2560x128xi32, #tpu.memory_space<hbm>> -> memref<1x128xi32, #tpu.memory_space<hbm>>
        %dma_start3A_157 = tpu.memref_squeeze %dma_start3A_156 : memref<1x128xi32, #tpu.memory_space<hbm>> -> memref<128xi32, #tpu.memory_space<hbm>>
        tpu.enqueue_dma source(%dma_start3A_157 : memref<128xi32, #tpu.memory_space<hbm>>) target(%dma_start3A_154 : memref<128xi32, #tpu.memory_space<vmem>>) target_semaphore(%arg16 : memref<!tpu.dma_semaphore, #tpu.memory_space<semaphore_mem>>)
      } else {
      }
    }
    %scan3A_74 = arith.constant 40 : i32
    %barrier3A_75 = arith.constant 0 : index
    tpu.barrier barrier_id(%barrier3A_75)
    %eq3A = arith.constant 0 : i32
    %eq3A_76 = arith.cmpi eq, %arg0, %eq3A : i32
    %convert_element_type3A = arith.extui %eq3A_76 : i1 to i32
    %cond3A = arith.constant 0 : i32
    %cond3A_77 = arith.cmpi ne, %convert_element_type3A, %cond3A : i32
    scf.if %cond3A_77 {
      %mul3A_83 = arith.constant 632 : i32
      %mul3A_84 = arith.muli %arg1, %mul3A_83 : i32
      %mul3A_85 = arith.constant 632 : i32
      %mul3A_86 = arith.muli %arg1, %mul3A_85 : i32
      "tpu.region"() ({
        %run_scoped3A = tpu.sem_alloc : memref<!tpu.dma_semaphore, #tpu.memory_space<semaphore_mem>>
        %dma_start3A_87 = arith.constant 0 : i32
        %dma_start3A_88 = tpu.memref_slice %arg6[%mul3A_86, %dma_start3A_87] : memref<10112x128xf32, #tpu.memory_space<hbm>> -> memref<632x128xf32, #tpu.memory_space<hbm>>
        %dma_start3A_89 = arith.constant 0 : i32
        %dma_start3A_90 = tpu.memref_slice %arg14[%mul3A_84, %dma_start3A_89] : memref<10112x128xf32, #tpu.memory_space<vmem_shared>> -> memref<632x128xf32, #tpu.memory_space<vmem_shared>>
        tpu.enqueue_dma source(%dma_start3A_90 : memref<632x128xf32, #tpu.memory_space<vmem_shared>>) target(%dma_start3A_88 : memref<632x128xf32, #tpu.memory_space<hbm>>) target_semaphore(%run_scoped3A : memref<!tpu.dma_semaphore, #tpu.memory_space<semaphore_mem>>)
        %dma_wait3A_91 = arith.constant 0 : i32
        %dma_wait3A_92 = tpu.memref_slice %arg6[%mul3A_86, %dma_wait3A_91] : memref<10112x128xf32, #tpu.memory_space<hbm>> -> memref<632x128xf32, #tpu.memory_space<hbm>>
        %dma_wait3A_93 = arith.constant 0 : i32
        %dma_wait3A_94 = tpu.memref_slice %arg14[%mul3A_84, %dma_wait3A_93] : memref<10112x128xf32, #tpu.memory_space<vmem_shared>> -> memref<632x128xf32, #tpu.memory_space<vmem_shared>>
        tpu.wait_dma2 semaphore(%run_scoped3A : memref<!tpu.dma_semaphore, #tpu.memory_space<semaphore_mem>>) src(%dma_wait3A_94 : memref<632x128xf32, #tpu.memory_space<vmem_shared>>) dst(%dma_wait3A_92 : memref<632x128xf32, #tpu.memory_space<hbm>>)
        tpu.yield
      }) : () -> ()
    } else {
    }
    %eq3A_78 = arith.constant 1 : i32
    %eq3A_79 = arith.cmpi eq, %arg0, %eq3A_78 : i32
    %convert_element_type3A_80 = arith.extui %eq3A_79 : i1 to i32
    %cond3A_81 = arith.constant 0 : i32
    %cond3A_82 = arith.cmpi ne, %convert_element_type3A_80, %cond3A_81 : i32
    scf.if %cond3A_82 {
      %mul3A_83 = arith.constant 632 : i32
      %mul3A_84 = arith.muli %arg1, %mul3A_83 : i32
      %mul3A_85 = arith.constant 632 : i32
      %mul3A_86 = arith.muli %arg1, %mul3A_85 : i32
      "tpu.region"() ({
        %run_scoped3A = tpu.sem_alloc : memref<!tpu.dma_semaphore, #tpu.memory_space<semaphore_mem>>
        %dma_start3A_87 = arith.constant 0 : i32
        %dma_start3A_88 = tpu.memref_slice %arg7[%mul3A_86, %dma_start3A_87] : memref<10112x128xf32, #tpu.memory_space<hbm>> -> memref<632x128xf32, #tpu.memory_space<hbm>>
        %dma_start3A_89 = arith.constant 0 : i32
        %dma_start3A_90 = tpu.memref_slice %arg14[%mul3A_84, %dma_start3A_89] : memref<10112x128xf32, #tpu.memory_space<vmem_shared>> -> memref<632x128xf32, #tpu.memory_space<vmem_shared>>
        tpu.enqueue_dma source(%dma_start3A_90 : memref<632x128xf32, #tpu.memory_space<vmem_shared>>) target(%dma_start3A_88 : memref<632x128xf32, #tpu.memory_space<hbm>>) target_semaphore(%run_scoped3A : memref<!tpu.dma_semaphore, #tpu.memory_space<semaphore_mem>>)
        %dma_wait3A_91 = arith.constant 0 : i32
        %dma_wait3A_92 = tpu.memref_slice %arg7[%mul3A_86, %dma_wait3A_91] : memref<10112x128xf32, #tpu.memory_space<hbm>> -> memref<632x128xf32, #tpu.memory_space<hbm>>
        %dma_wait3A_93 = arith.constant 0 : i32
        %dma_wait3A_94 = tpu.memref_slice %arg14[%mul3A_84, %dma_wait3A_93] : memref<10112x128xf32, #tpu.memory_space<vmem_shared>> -> memref<632x128xf32, #tpu.memory_space<vmem_shared>>
        tpu.wait_dma2 semaphore(%run_scoped3A : memref<!tpu.dma_semaphore, #tpu.memory_space<semaphore_mem>>) src(%dma_wait3A_94 : memref<632x128xf32, #tpu.memory_space<vmem_shared>>) dst(%dma_wait3A_92 : memref<632x128xf32, #tpu.memory_space<hbm>>)
        tpu.yield
      }) : () -> ()
    } else {
    }
    return
  }
}

#map = affine_map<(d0, d1) -> (0, 0)>
module attributes {stable_mosaic.version = 14 : i64} {
  func.func @prop(%arg0: i32, %arg1: i32, %arg2: memref<2560x128xi32, #tpu.memory_space<hbm>>, %arg3: memref<2560x128xi32, #tpu.memory_space<hbm>>, %arg4: memref<10112x128xf32, #tpu.memory_space<hbm>>, %arg5: memref<632x128xf32, #tpu.memory_space<hbm>>, %arg6: memref<10112x128xf32, #tpu.memory_space<hbm>>, %arg7: memref<10112x128xf32, #tpu.memory_space<hbm>>, %arg8: memref<128xi32, #tpu.memory_space<vmem>>, %arg9: memref<128xi32, #tpu.memory_space<vmem>>, %arg10: memref<1x128xi32, #tpu.memory_space<vmem>>, %arg11: memref<1x128xi32, #tpu.memory_space<vmem>>, %arg12: memref<128x128xf32, #tpu.memory_space<vmem>>, %arg13: memref<128x128xf32, #tpu.memory_space<vmem>>, %arg14: memref<10112x128xf32, #tpu.memory_space<vmem_shared>>, %arg15: memref<!tpu.dma_semaphore, #tpu.memory_space<semaphore_mem>>, %arg16: memref<!tpu.dma_semaphore, #tpu.memory_space<semaphore_mem>>, %arg17: memref<!tpu.dma_semaphore, #tpu.memory_space<semaphore_mem>>, %arg18: memref<!tpu.dma_semaphore, #tpu.memory_space<semaphore_mem>>) attributes {dimension_semantics = [#tpu.dimension_semantics<core_parallel>, #tpu.dimension_semantics<subcore_parallel>], iteration_bounds = array<i64: 2, 16>, scalar_prefetch = 0 : i64, scratch_operands = 11 : i64, tpu.core_type = #tpu.core_type<sc_vector_subcore>, window_params = [{transform_indices = #map}, {transform_indices = #map}, {transform_indices = #map}, {transform_indices = #map}, {transform_indices = #map}, {transform_indices = #map}]} {
    %mul3A = arith.constant 16 : i32
    %mul3A_0 = arith.muli %arg0, %mul3A : i32
    %add3A = arith.addi %mul3A_0, %arg1 : i32
    %add3A_1 = arith.constant 0 : i32
    %add3A_2 = arith.addi %add3A, %add3A_1 : i32
    %dma_start3A = arith.constant 0 : i32
    %dma_start3A_3 = tpu.memref_slice %arg2[%add3A_2, %dma_start3A] : memref<2560x128xi32, #tpu.memory_space<hbm>> -> memref<1x128xi32, #tpu.memory_space<hbm>>
    %dma_start3A_4 = tpu.memref_squeeze %dma_start3A_3 : memref<1x128xi32, #tpu.memory_space<hbm>> -> memref<128xi32, #tpu.memory_space<hbm>>
    %dma_start3A_5 = arith.constant 0 : i32
    %dma_start3A_6 = tpu.memref_slice %arg2[%add3A_2, %dma_start3A_5] : memref<2560x128xi32, #tpu.memory_space<hbm>> -> memref<1x128xi32, #tpu.memory_space<hbm>>
    %dma_start3A_7 = tpu.memref_squeeze %dma_start3A_6 : memref<1x128xi32, #tpu.memory_space<hbm>> -> memref<128xi32, #tpu.memory_space<hbm>>
    tpu.enqueue_dma source(%dma_start3A_7 : memref<128xi32, #tpu.memory_space<hbm>>) target(%arg8 : memref<128xi32, #tpu.memory_space<vmem>>) target_semaphore(%arg15 : memref<!tpu.dma_semaphore, #tpu.memory_space<semaphore_mem>>)
    %dma_start3A_8 = arith.constant 0 : i32
    %dma_start3A_9 = arith.constant 0 : i32
    %dma_start3A_10 = tpu.memref_slice %arg10[%dma_start3A_8, %dma_start3A_9] : memref<1x128xi32, #tpu.memory_space<vmem>> -> memref<1x128xi32, #tpu.memory_space<vmem>>
    %dma_start3A_11 = tpu.memref_squeeze %dma_start3A_10 : memref<1x128xi32, #tpu.memory_space<vmem>> -> memref<128xi32, #tpu.memory_space<vmem>>
    %dma_start3A_12 = arith.constant 0 : i32
    %dma_start3A_13 = tpu.memref_slice %arg3[%add3A_2, %dma_start3A_12] : memref<2560x128xi32, #tpu.memory_space<hbm>> -> memref<1x128xi32, #tpu.memory_space<hbm>>
    %dma_start3A_14 = tpu.memref_squeeze %dma_start3A_13 : memref<1x128xi32, #tpu.memory_space<hbm>> -> memref<128xi32, #tpu.memory_space<hbm>>
    %dma_start3A_15 = arith.constant 0 : i32
    %dma_start3A_16 = tpu.memref_slice %arg10[%dma_start3A_8, %dma_start3A_15] : memref<1x128xi32, #tpu.memory_space<vmem>> -> memref<1x128xi32, #tpu.memory_space<vmem>>
    %dma_start3A_17 = tpu.memref_squeeze %dma_start3A_16 : memref<1x128xi32, #tpu.memory_space<vmem>> -> memref<128xi32, #tpu.memory_space<vmem>>
    %dma_start3A_18 = arith.constant 0 : i32
    %dma_start3A_19 = tpu.memref_slice %arg3[%add3A_2, %dma_start3A_18] : memref<2560x128xi32, #tpu.memory_space<hbm>> -> memref<1x128xi32, #tpu.memory_space<hbm>>
    %dma_start3A_20 = tpu.memref_squeeze %dma_start3A_19 : memref<1x128xi32, #tpu.memory_space<hbm>> -> memref<128xi32, #tpu.memory_space<hbm>>
    tpu.enqueue_dma source(%dma_start3A_20 : memref<128xi32, #tpu.memory_space<hbm>>) target(%dma_start3A_17 : memref<128xi32, #tpu.memory_space<vmem>>) target_semaphore(%arg15 : memref<!tpu.dma_semaphore, #tpu.memory_space<semaphore_mem>>)
    %mul3A_21 = arith.constant 632 : i32
    %mul3A_22 = arith.muli %arg1, %mul3A_21 : i32
    %dma_start3A_23 = arith.constant 0 : i32
    %dma_start3A_24 = tpu.memref_slice %arg14[%mul3A_22, %dma_start3A_23] : memref<10112x128xf32, #tpu.memory_space<vmem_shared>> -> memref<632x128xf32, #tpu.memory_space<vmem_shared>>
    tpu.enqueue_dma source(%arg5 : memref<632x128xf32, #tpu.memory_space<hbm>>) target(%dma_start3A_24 : memref<632x128xf32, #tpu.memory_space<vmem_shared>>) target_semaphore(%arg16 : memref<!tpu.dma_semaphore, #tpu.memory_space<semaphore_mem>>)
    %dma_wait3A = arith.constant 0 : i32
    %dma_wait3A_25 = tpu.memref_slice %arg14[%mul3A_22, %dma_wait3A] : memref<10112x128xf32, #tpu.memory_space<vmem_shared>> -> memref<632x128xf32, #tpu.memory_space<vmem_shared>>
    tpu.wait_dma2 semaphore(%arg16 : memref<!tpu.dma_semaphore, #tpu.memory_space<semaphore_mem>>) src(%arg5 : memref<632x128xf32, #tpu.memory_space<hbm>>) dst(%dma_wait3A_25 : memref<632x128xf32, #tpu.memory_space<vmem_shared>>)
    %barrier3A = arith.constant 0 : index
    tpu.barrier barrier_id(%barrier3A)
    %dma_wait3A_26 = arith.constant 0 : i32
    %dma_wait3A_27 = arith.constant 0 : i32
    %dma_wait3A_28 = tpu.memref_slice %arg2[%dma_wait3A_26, %dma_wait3A_27] : memref<2560x128xi32, #tpu.memory_space<hbm>> -> memref<1x128xi32, #tpu.memory_space<hbm>>
    %dma_wait3A_29 = tpu.memref_squeeze %dma_wait3A_28 : memref<1x128xi32, #tpu.memory_space<hbm>> -> memref<128xi32, #tpu.memory_space<hbm>>
    %dma_wait3A_30 = arith.constant 0 : i32
    %dma_wait3A_31 = tpu.memref_slice %arg2[%dma_wait3A_26, %dma_wait3A_30] : memref<2560x128xi32, #tpu.memory_space<hbm>> -> memref<1x128xi32, #tpu.memory_space<hbm>>
    %dma_wait3A_32 = tpu.memref_squeeze %dma_wait3A_31 : memref<1x128xi32, #tpu.memory_space<hbm>> -> memref<128xi32, #tpu.memory_space<hbm>>
    tpu.wait_dma2 semaphore(%arg15 : memref<!tpu.dma_semaphore, #tpu.memory_space<semaphore_mem>>) src(%dma_wait3A_32 : memref<128xi32, #tpu.memory_space<hbm>>) dst(%arg8 : memref<128xi32, #tpu.memory_space<vmem>>)
    %dma_wait3A_33 = arith.constant 0 : i32
    %dma_wait3A_34 = arith.constant 0 : i32
    %dma_wait3A_35 = arith.constant 0 : i32
    %dma_wait3A_36 = tpu.memref_slice %arg10[%dma_wait3A_34, %dma_wait3A_35] : memref<1x128xi32, #tpu.memory_space<vmem>> -> memref<1x128xi32, #tpu.memory_space<vmem>>
    %dma_wait3A_37 = tpu.memref_squeeze %dma_wait3A_36 : memref<1x128xi32, #tpu.memory_space<vmem>> -> memref<128xi32, #tpu.memory_space<vmem>>
    %dma_wait3A_38 = arith.constant 0 : i32
    %dma_wait3A_39 = tpu.memref_slice %arg2[%dma_wait3A_33, %dma_wait3A_38] : memref<2560x128xi32, #tpu.memory_space<hbm>> -> memref<1x128xi32, #tpu.memory_space<hbm>>
    %dma_wait3A_40 = tpu.memref_squeeze %dma_wait3A_39 : memref<1x128xi32, #tpu.memory_space<hbm>> -> memref<128xi32, #tpu.memory_space<hbm>>
    %dma_wait3A_41 = arith.constant 0 : i32
    %dma_wait3A_42 = tpu.memref_slice %arg10[%dma_wait3A_34, %dma_wait3A_41] : memref<1x128xi32, #tpu.memory_space<vmem>> -> memref<1x128xi32, #tpu.memory_space<vmem>>
    %dma_wait3A_43 = tpu.memref_squeeze %dma_wait3A_42 : memref<1x128xi32, #tpu.memory_space<vmem>> -> memref<128xi32, #tpu.memory_space<vmem>>
    %dma_wait3A_44 = arith.constant 0 : i32
    %dma_wait3A_45 = tpu.memref_slice %arg2[%dma_wait3A_33, %dma_wait3A_44] : memref<2560x128xi32, #tpu.memory_space<hbm>> -> memref<1x128xi32, #tpu.memory_space<hbm>>
    %dma_wait3A_46 = tpu.memref_squeeze %dma_wait3A_45 : memref<1x128xi32, #tpu.memory_space<hbm>> -> memref<128xi32, #tpu.memory_space<hbm>>
    tpu.wait_dma2 semaphore(%arg15 : memref<!tpu.dma_semaphore, #tpu.memory_space<semaphore_mem>>) src(%dma_wait3A_46 : memref<128xi32, #tpu.memory_space<hbm>>) dst(%dma_wait3A_43 : memref<128xi32, #tpu.memory_space<vmem>>)
    %dma_start3A_47 = arith.constant 0 : i32
    %dma_start3A_48 = arith.constant 0 : i32
    %dma_start3A_49 = tpu.memref_slice %arg4[%dma_start3A_47, %dma_start3A_48] : memref<10112x128xf32, #tpu.memory_space<hbm>> -> memref<10112x128xf32, #tpu.memory_space<hbm>>
    tpu.enqueue_indirect_dma source(%dma_start3A_49 : memref<10112x128xf32, #tpu.memory_space<hbm>>) target(%arg12 : memref<128x128xf32, #tpu.memory_space<vmem>>) offsets(%arg8 : memref<128xi32, #tpu.memory_space<vmem>>) semaphore(%arg17 : memref<!tpu.dma_semaphore, #tpu.memory_space<semaphore_mem>>)
    %add3A_50 = arith.constant 32 : i32
    %add3A_51 = arith.addi %add3A, %add3A_50 : i32
    %dma_start3A_52 = arith.constant 0 : i32
    %dma_start3A_53 = tpu.memref_slice %arg2[%add3A_51, %dma_start3A_52] : memref<2560x128xi32, #tpu.memory_space<hbm>> -> memref<1x128xi32, #tpu.memory_space<hbm>>
    %dma_start3A_54 = tpu.memref_squeeze %dma_start3A_53 : memref<1x128xi32, #tpu.memory_space<hbm>> -> memref<128xi32, #tpu.memory_space<hbm>>
    %dma_start3A_55 = arith.constant 0 : i32
    %dma_start3A_56 = tpu.memref_slice %arg2[%add3A_51, %dma_start3A_55] : memref<2560x128xi32, #tpu.memory_space<hbm>> -> memref<1x128xi32, #tpu.memory_space<hbm>>
    %dma_start3A_57 = tpu.memref_squeeze %dma_start3A_56 : memref<1x128xi32, #tpu.memory_space<hbm>> -> memref<128xi32, #tpu.memory_space<hbm>>
    tpu.enqueue_dma source(%dma_start3A_57 : memref<128xi32, #tpu.memory_space<hbm>>) target(%arg9 : memref<128xi32, #tpu.memory_space<vmem>>) target_semaphore(%arg16 : memref<!tpu.dma_semaphore, #tpu.memory_space<semaphore_mem>>)
    %dma_start3A_58 = arith.constant 0 : i32
    %dma_start3A_59 = arith.constant 0 : i32
    %dma_start3A_60 = tpu.memref_slice %arg11[%dma_start3A_58, %dma_start3A_59] : memref<1x128xi32, #tpu.memory_space<vmem>> -> memref<1x128xi32, #tpu.memory_space<vmem>>
    %dma_start3A_61 = tpu.memref_squeeze %dma_start3A_60 : memref<1x128xi32, #tpu.memory_space<vmem>> -> memref<128xi32, #tpu.memory_space<vmem>>
    %dma_start3A_62 = arith.constant 0 : i32
    %dma_start3A_63 = tpu.memref_slice %arg3[%add3A_51, %dma_start3A_62] : memref<2560x128xi32, #tpu.memory_space<hbm>> -> memref<1x128xi32, #tpu.memory_space<hbm>>
    %dma_start3A_64 = tpu.memref_squeeze %dma_start3A_63 : memref<1x128xi32, #tpu.memory_space<hbm>> -> memref<128xi32, #tpu.memory_space<hbm>>
    %dma_start3A_65 = arith.constant 0 : i32
    %dma_start3A_66 = tpu.memref_slice %arg11[%dma_start3A_58, %dma_start3A_65] : memref<1x128xi32, #tpu.memory_space<vmem>> -> memref<1x128xi32, #tpu.memory_space<vmem>>
    %dma_start3A_67 = tpu.memref_squeeze %dma_start3A_66 : memref<1x128xi32, #tpu.memory_space<vmem>> -> memref<128xi32, #tpu.memory_space<vmem>>
    %dma_start3A_68 = arith.constant 0 : i32
    %dma_start3A_69 = tpu.memref_slice %arg3[%add3A_51, %dma_start3A_68] : memref<2560x128xi32, #tpu.memory_space<hbm>> -> memref<1x128xi32, #tpu.memory_space<hbm>>
    %dma_start3A_70 = tpu.memref_squeeze %dma_start3A_69 : memref<1x128xi32, #tpu.memory_space<hbm>> -> memref<128xi32, #tpu.memory_space<hbm>>
    tpu.enqueue_dma source(%dma_start3A_70 : memref<128xi32, #tpu.memory_space<hbm>>) target(%dma_start3A_67 : memref<128xi32, #tpu.memory_space<vmem>>) target_semaphore(%arg16 : memref<!tpu.dma_semaphore, #tpu.memory_space<semaphore_mem>>)
    %scan3A = arith.constant 0 : i32
    %scan3A_71 = arith.constant 40 : i32
    %scan3A_72 = arith.addi %scan3A, %scan3A_71 : i32
    %scan3A_73 = arith.constant 1 : i32
    scf.for %scan3A_83 = %scan3A to %scan3A_72 step %scan3A_73  : i32 {
      %mul3A_84 = arith.constant 1 : i32
      %mul3A_85 = arith.muli %scan3A_83, %mul3A_84 : i32
      %add3A_86 = arith.constant 0 : i32
      %add3A_87 = arith.addi %add3A_86, %mul3A_85 : i32
      %mul3A_88 = arith.constant 2 : i32
      %mul3A_89 = arith.muli %mul3A_88, %add3A_87 : i32
      %dma_wait3A_90 = arith.constant 0 : i32
      %dma_wait3A_91 = arith.constant 0 : i32
      %dma_wait3A_92 = tpu.memref_slice %arg2[%dma_wait3A_90, %dma_wait3A_91] : memref<2560x128xi32, #tpu.memory_space<hbm>> -> memref<1x128xi32, #tpu.memory_space<hbm>>
      %dma_wait3A_93 = tpu.memref_squeeze %dma_wait3A_92 : memref<1x128xi32, #tpu.memory_space<hbm>> -> memref<128xi32, #tpu.memory_space<hbm>>
      %dma_wait3A_94 = arith.constant 0 : i32
      %dma_wait3A_95 = tpu.memref_slice %arg2[%dma_wait3A_90, %dma_wait3A_94] : memref<2560x128xi32, #tpu.memory_space<hbm>> -> memref<1x128xi32, #tpu.memory_space<hbm>>
      %dma_wait3A_96 = tpu.memref_squeeze %dma_wait3A_95 : memref<1x128xi32, #tpu.memory_space<hbm>> -> memref<128xi32, #tpu.memory_space<hbm>>
      tpu.wait_dma2 semaphore(%arg16 : memref<!tpu.dma_semaphore, #tpu.memory_space<semaphore_mem>>) src(%dma_wait3A_96 : memref<128xi32, #tpu.memory_space<hbm>>) dst(%arg9 : memref<128xi32, #tpu.memory_space<vmem>>)
      %dma_wait3A_97 = arith.constant 0 : i32
      %dma_wait3A_98 = arith.constant 0 : i32
      %dma_wait3A_99 = arith.constant 0 : i32
      %dma_wait3A_100 = tpu.memref_slice %arg11[%dma_wait3A_98, %dma_wait3A_99] : memref<1x128xi32, #tpu.memory_space<vmem>> -> memref<1x128xi32, #tpu.memory_space<vmem>>
      %dma_wait3A_101 = tpu.memref_squeeze %dma_wait3A_100 : memref<1x128xi32, #tpu.memory_space<vmem>> -> memref<128xi32, #tpu.memory_space<vmem>>
      %dma_wait3A_102 = arith.constant 0 : i32
      %dma_wait3A_103 = tpu.memref_slice %arg2[%dma_wait3A_97, %dma_wait3A_102] : memref<2560x128xi32, #tpu.memory_space<hbm>> -> memref<1x128xi32, #tpu.memory_space<hbm>>
      %dma_wait3A_104 = tpu.memref_squeeze %dma_wait3A_103 : memref<1x128xi32, #tpu.memory_space<hbm>> -> memref<128xi32, #tpu.memory_space<hbm>>
      %dma_wait3A_105 = arith.constant 0 : i32
      %dma_wait3A_106 = tpu.memref_slice %arg11[%dma_wait3A_98, %dma_wait3A_105] : memref<1x128xi32, #tpu.memory_space<vmem>> -> memref<1x128xi32, #tpu.memory_space<vmem>>
      %dma_wait3A_107 = tpu.memref_squeeze %dma_wait3A_106 : memref<1x128xi32, #tpu.memory_space<vmem>> -> memref<128xi32, #tpu.memory_space<vmem>>
      %dma_wait3A_108 = arith.constant 0 : i32
      %dma_wait3A_109 = tpu.memref_slice %arg2[%dma_wait3A_97, %dma_wait3A_108] : memref<2560x128xi32, #tpu.memory_space<hbm>> -> memref<1x128xi32, #tpu.memory_space<hbm>>
      %dma_wait3A_110 = tpu.memref_squeeze %dma_wait3A_109 : memref<1x128xi32, #tpu.memory_space<hbm>> -> memref<128xi32, #tpu.memory_space<hbm>>
      tpu.wait_dma2 semaphore(%arg16 : memref<!tpu.dma_semaphore, #tpu.memory_space<semaphore_mem>>) src(%dma_wait3A_110 : memref<128xi32, #tpu.memory_space<hbm>>) dst(%dma_wait3A_107 : memref<128xi32, #tpu.memory_space<vmem>>)
      %dma_start3A_111 = arith.constant 0 : i32
      %dma_start3A_112 = arith.constant 0 : i32
      %dma_start3A_113 = tpu.memref_slice %arg4[%dma_start3A_111, %dma_start3A_112] : memref<10112x128xf32, #tpu.memory_space<hbm>> -> memref<10112x128xf32, #tpu.memory_space<hbm>>
      tpu.enqueue_indirect_dma source(%dma_start3A_113 : memref<10112x128xf32, #tpu.memory_space<hbm>>) target(%arg13 : memref<128x128xf32, #tpu.memory_space<vmem>>) offsets(%arg9 : memref<128xi32, #tpu.memory_space<vmem>>) semaphore(%arg18 : memref<!tpu.dma_semaphore, #tpu.memory_space<semaphore_mem>>)
      %dma_wait3A_114 = arith.constant 0 : i32
      %dma_wait3A_115 = arith.constant 0 : i32
      %dma_wait3A_116 = tpu.memref_slice %arg4[%dma_wait3A_114, %dma_wait3A_115] : memref<10112x128xf32, #tpu.memory_space<hbm>> -> memref<10112x128xf32, #tpu.memory_space<hbm>>
      tpu.wait_indirect_dma semaphore(%arg17 : memref<!tpu.dma_semaphore, #tpu.memory_space<semaphore_mem>>) src(%dma_wait3A_116 : memref<10112x128xf32, #tpu.memory_space<hbm>>) dst(%arg12 : memref<128x128xf32, #tpu.memory_space<vmem>>)
      %run_scoped3A = arith.constant 0 : i32
      "tpu.region"() ({
        %run_scoped3A_134 = tpu.sem_alloc : memref<!tpu.dma_semaphore, #tpu.memory_space<semaphore_mem>>
        %dma_start3A_135 = arith.constant 0 : i32
        %dma_start3A_136 = tpu.memref_slice %arg10[%run_scoped3A, %dma_start3A_135] : memref<1x128xi32, #tpu.memory_space<vmem>> -> memref<1x128xi32, #tpu.memory_space<vmem>>
        %dma_start3A_137 = tpu.memref_squeeze %dma_start3A_136 : memref<1x128xi32, #tpu.memory_space<vmem>> -> memref<128xi32, #tpu.memory_space<vmem>>
        %dma_start3A_138 = arith.constant 0 : i32
        %dma_start3A_139 = arith.constant 0 : i32
        %dma_start3A_140 = tpu.memref_slice %arg14[%dma_start3A_138, %dma_start3A_139] : memref<10112x128xf32, #tpu.memory_space<vmem_shared>> -> memref<10112x128xf32, #tpu.memory_space<vmem_shared>>
        tpu.enqueue_indirect_dma source(%arg12 : memref<128x128xf32, #tpu.memory_space<vmem>>) target(%dma_start3A_140 : memref<10112x128xf32, #tpu.memory_space<vmem_shared>>) offsets(%dma_start3A_137 : memref<128xi32, #tpu.memory_space<vmem>>) semaphore(%run_scoped3A_134 : memref<!tpu.dma_semaphore, #tpu.memory_space<semaphore_mem>>) {add = true}
        %dma_wait3A_141 = arith.constant 0 : i32
        %dma_wait3A_142 = tpu.memref_slice %arg10[%run_scoped3A, %dma_wait3A_141] : memref<1x128xi32, #tpu.memory_space<vmem>> -> memref<1x128xi32, #tpu.memory_space<vmem>>
        %dma_wait3A_143 = tpu.memref_squeeze %dma_wait3A_142 : memref<1x128xi32, #tpu.memory_space<vmem>> -> memref<128xi32, #tpu.memory_space<vmem>>
        %dma_wait3A_144 = arith.constant 0 : i32
        %dma_wait3A_145 = arith.constant 0 : i32
        %dma_wait3A_146 = tpu.memref_slice %arg14[%dma_wait3A_144, %dma_wait3A_145] : memref<10112x128xf32, #tpu.memory_space<vmem_shared>> -> memref<10112x128xf32, #tpu.memory_space<vmem_shared>>
        tpu.wait_indirect_dma semaphore(%run_scoped3A_134 : memref<!tpu.dma_semaphore, #tpu.memory_space<semaphore_mem>>) src(%arg12 : memref<128x128xf32, #tpu.memory_space<vmem>>) dst(%dma_wait3A_146 : memref<10112x128xf32, #tpu.memory_space<vmem_shared>>)
        tpu.yield
      }) : () -> ()
      %add3A_117 = arith.constant 2 : i32
      %add3A_118 = arith.addi %mul3A_89, %add3A_117 : i32
      %lt3A = arith.constant 80 : i32
      %lt3A_119 = arith.cmpi slt, %add3A_118, %lt3A : i32
      %convert_element_type3A_120 = arith.extui %lt3A_119 : i1 to i32
      %cond3A_121 = arith.constant 0 : i32
      %cond3A_122 = arith.cmpi ne, %convert_element_type3A_120, %cond3A_121 : i32
      scf.if %cond3A_122 {
        %add3A_134 = arith.constant 2 : i32
        %add3A_135 = arith.addi %mul3A_89, %add3A_134 : i32
        %mul3A_136 = arith.constant 32 : i32
        %mul3A_137 = arith.muli %add3A_135, %mul3A_136 : i32
        %add3A_138 = arith.addi %add3A, %mul3A_137 : i32
        %dma_start3A_139 = arith.constant 0 : i32
        %dma_start3A_140 = tpu.memref_slice %arg2[%add3A_138, %dma_start3A_139] : memref<2560x128xi32, #tpu.memory_space<hbm>> -> memref<1x128xi32, #tpu.memory_space<hbm>>
        %dma_start3A_141 = tpu.memref_squeeze %dma_start3A_140 : memref<1x128xi32, #tpu.memory_space<hbm>> -> memref<128xi32, #tpu.memory_space<hbm>>
        %dma_start3A_142 = arith.constant 0 : i32
        %dma_start3A_143 = tpu.memref_slice %arg2[%add3A_138, %dma_start3A_142] : memref<2560x128xi32, #tpu.memory_space<hbm>> -> memref<1x128xi32, #tpu.memory_space<hbm>>
        %dma_start3A_144 = tpu.memref_squeeze %dma_start3A_143 : memref<1x128xi32, #tpu.memory_space<hbm>> -> memref<128xi32, #tpu.memory_space<hbm>>
        tpu.enqueue_dma source(%dma_start3A_144 : memref<128xi32, #tpu.memory_space<hbm>>) target(%arg8 : memref<128xi32, #tpu.memory_space<vmem>>) target_semaphore(%arg15 : memref<!tpu.dma_semaphore, #tpu.memory_space<semaphore_mem>>)
        %dma_start3A_145 = arith.constant 0 : i32
        %dma_start3A_146 = arith.constant 0 : i32
        %dma_start3A_147 = tpu.memref_slice %arg10[%dma_start3A_145, %dma_start3A_146] : memref<1x128xi32, #tpu.memory_space<vmem>> -> memref<1x128xi32, #tpu.memory_space<vmem>>
        %dma_start3A_148 = tpu.memref_squeeze %dma_start3A_147 : memref<1x128xi32, #tpu.memory_space<vmem>> -> memref<128xi32, #tpu.memory_space<vmem>>
        %dma_start3A_149 = arith.constant 0 : i32
        %dma_start3A_150 = tpu.memref_slice %arg3[%add3A_138, %dma_start3A_149] : memref<2560x128xi32, #tpu.memory_space<hbm>> -> memref<1x128xi32, #tpu.memory_space<hbm>>
        %dma_start3A_151 = tpu.memref_squeeze %dma_start3A_150 : memref<1x128xi32, #tpu.memory_space<hbm>> -> memref<128xi32, #tpu.memory_space<hbm>>
        %dma_start3A_152 = arith.constant 0 : i32
        %dma_start3A_153 = tpu.memref_slice %arg10[%dma_start3A_145, %dma_start3A_152] : memref<1x128xi32, #tpu.memory_space<vmem>> -> memref<1x128xi32, #tpu.memory_space<vmem>>
        %dma_start3A_154 = tpu.memref_squeeze %dma_start3A_153 : memref<1x128xi32, #tpu.memory_space<vmem>> -> memref<128xi32, #tpu.memory_space<vmem>>
        %dma_start3A_155 = arith.constant 0 : i32
        %dma_start3A_156 = tpu.memref_slice %arg3[%add3A_138, %dma_start3A_155] : memref<2560x128xi32, #tpu.memory_space<hbm>> -> memref<1x128xi32, #tpu.memory_space<hbm>>
        %dma_start3A_157 = tpu.memref_squeeze %dma_start3A_156 : memref<1x128xi32, #tpu.memory_space<hbm>> -> memref<128xi32, #tpu.memory_space<hbm>>
        tpu.enqueue_dma source(%dma_start3A_157 : memref<128xi32, #tpu.memory_space<hbm>>) target(%dma_start3A_154 : memref<128xi32, #tpu.memory_space<vmem>>) target_semaphore(%arg15 : memref<!tpu.dma_semaphore, #tpu.memory_space<semaphore_mem>>)
        %dma_wait3A_158 = arith.constant 0 : i32
        %dma_wait3A_159 = arith.constant 0 : i32
        %dma_wait3A_160 = tpu.memref_slice %arg2[%dma_wait3A_158, %dma_wait3A_159] : memref<2560x128xi32, #tpu.memory_space<hbm>> -> memref<1x128xi32, #tpu.memory_space<hbm>>
        %dma_wait3A_161 = tpu.memref_squeeze %dma_wait3A_160 : memref<1x128xi32, #tpu.memory_space<hbm>> -> memref<128xi32, #tpu.memory_space<hbm>>
        %dma_wait3A_162 = arith.constant 0 : i32
        %dma_wait3A_163 = tpu.memref_slice %arg2[%dma_wait3A_158, %dma_wait3A_162] : memref<2560x128xi32, #tpu.memory_space<hbm>> -> memref<1x128xi32, #tpu.memory_space<hbm>>
        %dma_wait3A_164 = tpu.memref_squeeze %dma_wait3A_163 : memref<1x128xi32, #tpu.memory_space<hbm>> -> memref<128xi32, #tpu.memory_space<hbm>>
        tpu.wait_dma2 semaphore(%arg15 : memref<!tpu.dma_semaphore, #tpu.memory_space<semaphore_mem>>) src(%dma_wait3A_164 : memref<128xi32, #tpu.memory_space<hbm>>) dst(%arg8 : memref<128xi32, #tpu.memory_space<vmem>>)
        %dma_wait3A_165 = arith.constant 0 : i32
        %dma_wait3A_166 = arith.constant 0 : i32
        %dma_wait3A_167 = arith.constant 0 : i32
        %dma_wait3A_168 = tpu.memref_slice %arg10[%dma_wait3A_166, %dma_wait3A_167] : memref<1x128xi32, #tpu.memory_space<vmem>> -> memref<1x128xi32, #tpu.memory_space<vmem>>
        %dma_wait3A_169 = tpu.memref_squeeze %dma_wait3A_168 : memref<1x128xi32, #tpu.memory_space<vmem>> -> memref<128xi32, #tpu.memory_space<vmem>>
        %dma_wait3A_170 = arith.constant 0 : i32
        %dma_wait3A_171 = tpu.memref_slice %arg2[%dma_wait3A_165, %dma_wait3A_170] : memref<2560x128xi32, #tpu.memory_space<hbm>> -> memref<1x128xi32, #tpu.memory_space<hbm>>
        %dma_wait3A_172 = tpu.memref_squeeze %dma_wait3A_171 : memref<1x128xi32, #tpu.memory_space<hbm>> -> memref<128xi32, #tpu.memory_space<hbm>>
        %dma_wait3A_173 = arith.constant 0 : i32
        %dma_wait3A_174 = tpu.memref_slice %arg10[%dma_wait3A_166, %dma_wait3A_173] : memref<1x128xi32, #tpu.memory_space<vmem>> -> memref<1x128xi32, #tpu.memory_space<vmem>>
        %dma_wait3A_175 = tpu.memref_squeeze %dma_wait3A_174 : memref<1x128xi32, #tpu.memory_space<vmem>> -> memref<128xi32, #tpu.memory_space<vmem>>
        %dma_wait3A_176 = arith.constant 0 : i32
        %dma_wait3A_177 = tpu.memref_slice %arg2[%dma_wait3A_165, %dma_wait3A_176] : memref<2560x128xi32, #tpu.memory_space<hbm>> -> memref<1x128xi32, #tpu.memory_space<hbm>>
        %dma_wait3A_178 = tpu.memref_squeeze %dma_wait3A_177 : memref<1x128xi32, #tpu.memory_space<hbm>> -> memref<128xi32, #tpu.memory_space<hbm>>
        tpu.wait_dma2 semaphore(%arg15 : memref<!tpu.dma_semaphore, #tpu.memory_space<semaphore_mem>>) src(%dma_wait3A_178 : memref<128xi32, #tpu.memory_space<hbm>>) dst(%dma_wait3A_175 : memref<128xi32, #tpu.memory_space<vmem>>)
        %dma_start3A_179 = arith.constant 0 : i32
        %dma_start3A_180 = arith.constant 0 : i32
        %dma_start3A_181 = tpu.memref_slice %arg4[%dma_start3A_179, %dma_start3A_180] : memref<10112x128xf32, #tpu.memory_space<hbm>> -> memref<10112x128xf32, #tpu.memory_space<hbm>>
        tpu.enqueue_indirect_dma source(%dma_start3A_181 : memref<10112x128xf32, #tpu.memory_space<hbm>>) target(%arg12 : memref<128x128xf32, #tpu.memory_space<vmem>>) offsets(%arg8 : memref<128xi32, #tpu.memory_space<vmem>>) semaphore(%arg17 : memref<!tpu.dma_semaphore, #tpu.memory_space<semaphore_mem>>)
      } else {
      }
      %dma_wait3A_123 = arith.constant 0 : i32
      %dma_wait3A_124 = arith.constant 0 : i32
      %dma_wait3A_125 = tpu.memref_slice %arg4[%dma_wait3A_123, %dma_wait3A_124] : memref<10112x128xf32, #tpu.memory_space<hbm>> -> memref<10112x128xf32, #tpu.memory_space<hbm>>
      tpu.wait_indirect_dma semaphore(%arg18 : memref<!tpu.dma_semaphore, #tpu.memory_space<semaphore_mem>>) src(%dma_wait3A_125 : memref<10112x128xf32, #tpu.memory_space<hbm>>) dst(%arg13 : memref<128x128xf32, #tpu.memory_space<vmem>>)
      %run_scoped3A_126 = arith.constant 0 : i32
      "tpu.region"() ({
        %run_scoped3A_134 = tpu.sem_alloc : memref<!tpu.dma_semaphore, #tpu.memory_space<semaphore_mem>>
        %dma_start3A_135 = arith.constant 0 : i32
        %dma_start3A_136 = tpu.memref_slice %arg11[%run_scoped3A_126, %dma_start3A_135] : memref<1x128xi32, #tpu.memory_space<vmem>> -> memref<1x128xi32, #tpu.memory_space<vmem>>
        %dma_start3A_137 = tpu.memref_squeeze %dma_start3A_136 : memref<1x128xi32, #tpu.memory_space<vmem>> -> memref<128xi32, #tpu.memory_space<vmem>>
        %dma_start3A_138 = arith.constant 0 : i32
        %dma_start3A_139 = arith.constant 0 : i32
        %dma_start3A_140 = tpu.memref_slice %arg14[%dma_start3A_138, %dma_start3A_139] : memref<10112x128xf32, #tpu.memory_space<vmem_shared>> -> memref<10112x128xf32, #tpu.memory_space<vmem_shared>>
        tpu.enqueue_indirect_dma source(%arg13 : memref<128x128xf32, #tpu.memory_space<vmem>>) target(%dma_start3A_140 : memref<10112x128xf32, #tpu.memory_space<vmem_shared>>) offsets(%dma_start3A_137 : memref<128xi32, #tpu.memory_space<vmem>>) semaphore(%run_scoped3A_134 : memref<!tpu.dma_semaphore, #tpu.memory_space<semaphore_mem>>) {add = true}
        %dma_wait3A_141 = arith.constant 0 : i32
        %dma_wait3A_142 = tpu.memref_slice %arg11[%run_scoped3A_126, %dma_wait3A_141] : memref<1x128xi32, #tpu.memory_space<vmem>> -> memref<1x128xi32, #tpu.memory_space<vmem>>
        %dma_wait3A_143 = tpu.memref_squeeze %dma_wait3A_142 : memref<1x128xi32, #tpu.memory_space<vmem>> -> memref<128xi32, #tpu.memory_space<vmem>>
        %dma_wait3A_144 = arith.constant 0 : i32
        %dma_wait3A_145 = arith.constant 0 : i32
        %dma_wait3A_146 = tpu.memref_slice %arg14[%dma_wait3A_144, %dma_wait3A_145] : memref<10112x128xf32, #tpu.memory_space<vmem_shared>> -> memref<10112x128xf32, #tpu.memory_space<vmem_shared>>
        tpu.wait_indirect_dma semaphore(%run_scoped3A_134 : memref<!tpu.dma_semaphore, #tpu.memory_space<semaphore_mem>>) src(%arg13 : memref<128x128xf32, #tpu.memory_space<vmem>>) dst(%dma_wait3A_146 : memref<10112x128xf32, #tpu.memory_space<vmem_shared>>)
        tpu.yield
      }) : () -> ()
      %add3A_127 = arith.constant 3 : i32
      %add3A_128 = arith.addi %mul3A_89, %add3A_127 : i32
      %lt3A_129 = arith.constant 80 : i32
      %lt3A_130 = arith.cmpi slt, %add3A_128, %lt3A_129 : i32
      %convert_element_type3A_131 = arith.extui %lt3A_130 : i1 to i32
      %cond3A_132 = arith.constant 0 : i32
      %cond3A_133 = arith.cmpi ne, %convert_element_type3A_131, %cond3A_132 : i32
      scf.if %cond3A_133 {
        %add3A_134 = arith.constant 3 : i32
        %add3A_135 = arith.addi %mul3A_89, %add3A_134 : i32
        %mul3A_136 = arith.constant 32 : i32
        %mul3A_137 = arith.muli %add3A_135, %mul3A_136 : i32
        %add3A_138 = arith.addi %add3A, %mul3A_137 : i32
        %dma_start3A_139 = arith.constant 0 : i32
        %dma_start3A_140 = tpu.memref_slice %arg2[%add3A_138, %dma_start3A_139] : memref<2560x128xi32, #tpu.memory_space<hbm>> -> memref<1x128xi32, #tpu.memory_space<hbm>>
        %dma_start3A_141 = tpu.memref_squeeze %dma_start3A_140 : memref<1x128xi32, #tpu.memory_space<hbm>> -> memref<128xi32, #tpu.memory_space<hbm>>
        %dma_start3A_142 = arith.constant 0 : i32
        %dma_start3A_143 = tpu.memref_slice %arg2[%add3A_138, %dma_start3A_142] : memref<2560x128xi32, #tpu.memory_space<hbm>> -> memref<1x128xi32, #tpu.memory_space<hbm>>
        %dma_start3A_144 = tpu.memref_squeeze %dma_start3A_143 : memref<1x128xi32, #tpu.memory_space<hbm>> -> memref<128xi32, #tpu.memory_space<hbm>>
        tpu.enqueue_dma source(%dma_start3A_144 : memref<128xi32, #tpu.memory_space<hbm>>) target(%arg9 : memref<128xi32, #tpu.memory_space<vmem>>) target_semaphore(%arg16 : memref<!tpu.dma_semaphore, #tpu.memory_space<semaphore_mem>>)
        %dma_start3A_145 = arith.constant 0 : i32
        %dma_start3A_146 = arith.constant 0 : i32
        %dma_start3A_147 = tpu.memref_slice %arg11[%dma_start3A_145, %dma_start3A_146] : memref<1x128xi32, #tpu.memory_space<vmem>> -> memref<1x128xi32, #tpu.memory_space<vmem>>
        %dma_start3A_148 = tpu.memref_squeeze %dma_start3A_147 : memref<1x128xi32, #tpu.memory_space<vmem>> -> memref<128xi32, #tpu.memory_space<vmem>>
        %dma_start3A_149 = arith.constant 0 : i32
        %dma_start3A_150 = tpu.memref_slice %arg3[%add3A_138, %dma_start3A_149] : memref<2560x128xi32, #tpu.memory_space<hbm>> -> memref<1x128xi32, #tpu.memory_space<hbm>>
        %dma_start3A_151 = tpu.memref_squeeze %dma_start3A_150 : memref<1x128xi32, #tpu.memory_space<hbm>> -> memref<128xi32, #tpu.memory_space<hbm>>
        %dma_start3A_152 = arith.constant 0 : i32
        %dma_start3A_153 = tpu.memref_slice %arg11[%dma_start3A_145, %dma_start3A_152] : memref<1x128xi32, #tpu.memory_space<vmem>> -> memref<1x128xi32, #tpu.memory_space<vmem>>
        %dma_start3A_154 = tpu.memref_squeeze %dma_start3A_153 : memref<1x128xi32, #tpu.memory_space<vmem>> -> memref<128xi32, #tpu.memory_space<vmem>>
        %dma_start3A_155 = arith.constant 0 : i32
        %dma_start3A_156 = tpu.memref_slice %arg3[%add3A_138, %dma_start3A_155] : memref<2560x128xi32, #tpu.memory_space<hbm>> -> memref<1x128xi32, #tpu.memory_space<hbm>>
        %dma_start3A_157 = tpu.memref_squeeze %dma_start3A_156 : memref<1x128xi32, #tpu.memory_space<hbm>> -> memref<128xi32, #tpu.memory_space<hbm>>
        tpu.enqueue_dma source(%dma_start3A_157 : memref<128xi32, #tpu.memory_space<hbm>>) target(%dma_start3A_154 : memref<128xi32, #tpu.memory_space<vmem>>) target_semaphore(%arg16 : memref<!tpu.dma_semaphore, #tpu.memory_space<semaphore_mem>>)
      } else {
      }
    }
    %scan3A_74 = arith.constant 40 : i32
    %barrier3A_75 = arith.constant 0 : index
    tpu.barrier barrier_id(%barrier3A_75)
    %eq3A = arith.constant 0 : i32
    %eq3A_76 = arith.cmpi eq, %arg0, %eq3A : i32
    %convert_element_type3A = arith.extui %eq3A_76 : i1 to i32
    %cond3A = arith.constant 0 : i32
    %cond3A_77 = arith.cmpi ne, %convert_element_type3A, %cond3A : i32
    scf.if %cond3A_77 {
      %mul3A_83 = arith.constant 632 : i32
      %mul3A_84 = arith.muli %arg1, %mul3A_83 : i32
      %mul3A_85 = arith.constant 632 : i32
      %mul3A_86 = arith.muli %arg1, %mul3A_85 : i32
      "tpu.region"() ({
        %run_scoped3A = tpu.sem_alloc : memref<!tpu.dma_semaphore, #tpu.memory_space<semaphore_mem>>
        %dma_start3A_87 = arith.constant 0 : i32
        %dma_start3A_88 = tpu.memref_slice %arg6[%mul3A_86, %dma_start3A_87] : memref<10112x128xf32, #tpu.memory_space<hbm>> -> memref<632x128xf32, #tpu.memory_space<hbm>>
        %dma_start3A_89 = arith.constant 0 : i32
        %dma_start3A_90 = tpu.memref_slice %arg14[%mul3A_84, %dma_start3A_89] : memref<10112x128xf32, #tpu.memory_space<vmem_shared>> -> memref<632x128xf32, #tpu.memory_space<vmem_shared>>
        tpu.enqueue_dma source(%dma_start3A_90 : memref<632x128xf32, #tpu.memory_space<vmem_shared>>) target(%dma_start3A_88 : memref<632x128xf32, #tpu.memory_space<hbm>>) target_semaphore(%run_scoped3A : memref<!tpu.dma_semaphore, #tpu.memory_space<semaphore_mem>>)
        %dma_wait3A_91 = arith.constant 0 : i32
        %dma_wait3A_92 = tpu.memref_slice %arg6[%mul3A_86, %dma_wait3A_91] : memref<10112x128xf32, #tpu.memory_space<hbm>> -> memref<632x128xf32, #tpu.memory_space<hbm>>
        %dma_wait3A_93 = arith.constant 0 : i32
        %dma_wait3A_94 = tpu.memref_slice %arg14[%mul3A_84, %dma_wait3A_93] : memref<10112x128xf32, #tpu.memory_space<vmem_shared>> -> memref<632x128xf32, #tpu.memory_space<vmem_shared>>
        tpu.wait_dma2 semaphore(%run_scoped3A : memref<!tpu.dma_semaphore, #tpu.memory_space<semaphore_mem>>) src(%dma_wait3A_94 : memref<632x128xf32, #tpu.memory_space<vmem_shared>>) dst(%dma_wait3A_92 : memref<632x128xf32, #tpu.memory_space<hbm>>)
        tpu.yield
      }) : () -> ()
    } else {
    }
    %eq3A_78 = arith.constant 1 : i32
    %eq3A_79 = arith.cmpi eq, %arg0, %eq3A_78 : i32
    %convert_element_type3A_80 = arith.extui %eq3A_79 : i1 to i32
    %cond3A_81 = arith.constant 0 : i32
    %cond3A_82 = arith.cmpi ne, %convert_element_type3A_80, %cond3A_81 : i32
    scf.if %cond3A_82 {
      %mul3A_83 = arith.constant 632 : i32
      %mul3A_84 = arith.muli %arg1, %mul3A_83 : i32
      %mul3A_85 = arith.constant 632 : i32
      %mul3A_86 = arith.muli %arg1, %mul3A_85 : i32
      "tpu.region"() ({
        %run_scoped3A = tpu.sem_alloc : memref<!tpu.dma_semaphore, #tpu.memory_space<semaphore_mem>>
        %dma_start3A_87 = arith.constant 0 : i32
        %dma_start3A_88 = tpu.memref_slice %arg7[%mul3A_86, %dma_start3A_87] : memref<10112x128xf32, #tpu.memory_space<hbm>> -> memref<632x128xf32, #tpu.memory_space<hbm>>
        %dma_start3A_89 = arith.constant 0 : i32
        %dma_start3A_90 = tpu.memref_slice %arg14[%mul3A_84, %dma_start3A_89] : memref<10112x128xf32, #tpu.memory_space<vmem_shared>> -> memref<632x128xf32, #tpu.memory_space<vmem_shared>>
        tpu.enqueue_dma source(%dma_start3A_90 : memref<632x128xf32, #tpu.memory_space<vmem_shared>>) target(%dma_start3A_88 : memref<632x128xf32, #tpu.memory_space<hbm>>) target_semaphore(%run_scoped3A : memref<!tpu.dma_semaphore, #tpu.memory_space<semaphore_mem>>)
        %dma_wait3A_91 = arith.constant 0 : i32
        %dma_wait3A_92 = tpu.memref_slice %arg7[%mul3A_86, %dma_wait3A_91] : memref<10112x128xf32, #tpu.memory_space<hbm>> -> memref<632x128xf32, #tpu.memory_space<hbm>>
        %dma_wait3A_93 = arith.constant 0 : i32
        %dma_wait3A_94 = tpu.memref_slice %arg14[%mul3A_84, %dma_wait3A_93] : memref<10112x128xf32, #tpu.memory_space<vmem_shared>> -> memref<632x128xf32, #tpu.memory_space<vmem_shared>>
        tpu.wait_dma2 semaphore(%run_scoped3A : memref<!tpu.dma_semaphore, #tpu.memory_space<semaphore_mem>>) src(%dma_wait3A_94 : memref<632x128xf32, #tpu.memory_space<vmem_shared>>) dst(%dma_wait3A_92 : memref<632x128xf32, #tpu.memory_space<hbm>>)
        tpu.yield
      }) : () -> ()
    } else {
    }
    return
  }
}

module attributes {stable_mosaic.version = 14 : i64} {
  func.func @_tc1_body(%arg0: i32, %arg1: memref<1264x1xf32, #tpu.memory_space<vmem>>, %arg2: memref<1264x1xf32, #tpu.memory_space<vmem>>, %arg3: memref<1264x128xf32, #tpu.memory_space<vmem>>, %arg4: memref<1264x128xf32, #tpu.memory_space<vmem>>) attributes {dimension_semantics = [#tpu.dimension_semantics<arbitrary>], iteration_bounds = array<i64: 8>, scalar_prefetch = 0 : i64, scratch_operands = 0 : i64, tpu.core_type = #tpu.core_type<tc>, window_params = [{transform_indices = @transform_0, window_bounds = array<i64: 1264, 1>}, {transform_indices = @transform_1, window_bounds = array<i64: 1264, 1>}, {transform_indices = @transform_2, window_bounds = array<i64: 1264, 128>}, {transform_indices = @transform_3, window_bounds = array<i64: 1264, 128>}]} {
    %get3A = arith.constant 0 : index
    %get3A_0 = arith.constant 0 : index
    %get3A_1 = vector.load %arg1[%get3A, %get3A_0] : memref<1264x1xf32, #tpu.memory_space<vmem>>, vector<1264x1xf32>
    %add3A = arith.constant 1.000000e+00 : f32
    %add3A_2 = vector.broadcast %add3A : f32 to vector<1264x1xf32>
    %add3A_3 = arith.addf %add3A_2, %get3A_1 : vector<1264x1xf32>
    %get3A_4 = arith.constant 0 : index
    %get3A_5 = arith.constant 0 : index
    %get3A_6 = vector.load %arg2[%get3A_4, %get3A_5] : memref<1264x1xf32, #tpu.memory_space<vmem>>, vector<1264x1xf32>
    %add3A_7 = arith.addf %add3A_3, %get3A_6 : vector<1264x1xf32>
    %rsqrt3A = math.rsqrt %add3A_7 : vector<1264x1xf32>
    %broadcast_in_dim3A = vector.shape_cast %rsqrt3A : vector<1264x1xf32> to vector<1264x1xf32>
    %broadcast_in_dim3A_8 = vector.broadcast %broadcast_in_dim3A : vector<1264x1xf32> to vector<1264x128xf32>
    %get3A_9 = arith.constant 0 : index
    %get3A_10 = arith.constant 0 : index
    %get3A_11 = vector.load %arg3[%get3A_9, %get3A_10] : memref<1264x128xf32, #tpu.memory_space<vmem>>, vector<1264x128xf32>
    %mul3A = arith.mulf %broadcast_in_dim3A_8, %get3A_11 : vector<1264x128xf32>
    %swap3A = arith.constant 0 : index
    %swap3A_12 = arith.constant 0 : index
    %swap3A_13 = vector.load %arg4[%swap3A, %swap3A_12] : memref<1264x128xf32, #tpu.memory_space<vmem>>, vector<1264x128xf32>
    tpu.vector_store %arg4[%swap3A, %swap3A_12], %mul3A {strides = array<i32>} : memref<1264x128xf32, #tpu.memory_space<vmem>>, vector<1264x128xf32>,
    return
  }
  func.func @transform_0(%arg0: i32) -> (i32, i32) {
    %c0_i32 = arith.constant 0 : i32
    %c0_i32_0 = arith.constant 0 : i32
    return %arg0, %c0_i32 : i32, i32
  }
  func.func @transform_1(%arg0: i32) -> (i32, i32) {
    %c0_i32 = arith.constant 0 : i32
    %c0_i32_0 = arith.constant 0 : i32
    return %arg0, %c0_i32 : i32, i32
  }
  func.func @transform_2(%arg0: i32) -> (i32, i32) {
    %c0_i32 = arith.constant 0 : i32
    %c0_i32_0 = arith.constant 0 : i32
    return %arg0, %c0_i32 : i32, i32
  }
  func.func @transform_3(%arg0: i32) -> (i32, i32) {
    %c0_i32 = arith.constant 0 : i32
    %c0_i32_0 = arith.constant 0 : i32
    return %arg0, %c0_i32 : i32, i32
  }
}

module attributes {stable_mosaic.version = 14 : i64} {
  func.func @_tc2_body(%arg0: i32, %arg1: memref<1264x1xf32, #tpu.memory_space<vmem>>, %arg2: memref<1264x1xf32, #tpu.memory_space<vmem>>, %arg3: memref<1264x128xf32, #tpu.memory_space<vmem>>, %arg4: memref<1264x128xf32, #tpu.memory_space<vmem>>, %arg5: memref<1264x128xf32, #tpu.memory_space<vmem>>, %arg6: memref<128x256xf32, #tpu.memory_space<vmem>>, %arg7: memref<1x256xf32, #tpu.memory_space<vmem>>, %arg8: memref<256x64xf32, #tpu.memory_space<vmem>>, %arg9: memref<1264x128xf32, #tpu.memory_space<vmem>>) attributes {dimension_semantics = [#tpu.dimension_semantics<arbitrary>], iteration_bounds = array<i64: 8>, scalar_prefetch = 0 : i64, scratch_operands = 0 : i64, tpu.core_type = #tpu.core_type<tc>, window_params = [{transform_indices = @transform_0, window_bounds = array<i64: 1264, 1>}, {transform_indices = @transform_1, window_bounds = array<i64: 1264, 1>}, {transform_indices = @transform_2, window_bounds = array<i64: 1264, 128>}, {transform_indices = @transform_3, window_bounds = array<i64: 1264, 128>}, {transform_indices = @transform_4, window_bounds = array<i64: 1264, 128>}, {pipeline_mode = #tpu.pipeline_mode<synchronous>, transform_indices = @transform_5, window_bounds = array<i64: 128, 256>}, {pipeline_mode = #tpu.pipeline_mode<synchronous>, transform_indices = @transform_6, window_bounds = array<i64: 1, 256>}, {pipeline_mode = #tpu.pipeline_mode<synchronous>, transform_indices = @transform_7, window_bounds = array<i64: 256, 64>}, {transform_indices = @transform_8, window_bounds = array<i64: 1264, 128>}]} {
    %get3A = arith.constant 0 : index
    %get3A_0 = arith.constant 0 : index
    %get3A_1 = vector.load %arg1[%get3A, %get3A_0] : memref<1264x1xf32, #tpu.memory_space<vmem>>, vector<1264x1xf32>
    %add3A = arith.constant 1.000000e+00 : f32
    %add3A_2 = vector.broadcast %add3A : f32 to vector<1264x1xf32>
    %add3A_3 = arith.addf %add3A_2, %get3A_1 : vector<1264x1xf32>
    %get3A_4 = arith.constant 0 : index
    %get3A_5 = arith.constant 0 : index
    %get3A_6 = vector.load %arg2[%get3A_4, %get3A_5] : memref<1264x1xf32, #tpu.memory_space<vmem>>, vector<1264x1xf32>
    %add3A_7 = arith.addf %add3A_3, %get3A_6 : vector<1264x1xf32>
    %rsqrt3A = math.rsqrt %add3A_7 : vector<1264x1xf32>
    %broadcast_in_dim3A = vector.shape_cast %rsqrt3A : vector<1264x1xf32> to vector<1264x1xf32>
    %broadcast_in_dim3A_8 = vector.broadcast %broadcast_in_dim3A : vector<1264x1xf32> to vector<1264x128xf32>
    %get3A_9 = arith.constant 0 : index
    %get3A_10 = arith.constant 0 : index
    %get3A_11 = vector.load %arg3[%get3A_9, %get3A_10] : memref<1264x128xf32, #tpu.memory_space<vmem>>, vector<1264x128xf32>
    %get3A_12 = arith.constant 0 : index
    %get3A_13 = arith.constant 0 : index
    %get3A_14 = vector.load %arg4[%get3A_12, %get3A_13] : memref<1264x128xf32, #tpu.memory_space<vmem>>, vector<1264x128xf32>
    %add3A_15 = arith.addf %get3A_11, %get3A_14 : vector<1264x128xf32>
    %get3A_16 = arith.constant 0 : index
    %get3A_17 = arith.constant 0 : index
    %get3A_18 = vector.load %arg5[%get3A_16, %get3A_17] : memref<1264x128xf32, #tpu.memory_space<vmem>>, vector<1264x128xf32>
    %add3A_19 = arith.addf %add3A_15, %get3A_18 : vector<1264x128xf32>
    %mul3A = arith.mulf %broadcast_in_dim3A_8, %add3A_19 : vector<1264x128xf32>
    %get3A_20 = arith.constant 0 : index
    %get3A_21 = arith.constant 0 : index
    %get3A_22 = vector.load %arg6[%get3A_20, %get3A_21] : memref<128x256xf32, #tpu.memory_space<vmem>>, vector<128x256xf32>
    %dot_general3A = arith.constant dense<0.000000e+00> : vector<1264x256xf32>
    %dot_general3A_23 = tpu.matmul %mul3A, %get3A_22, %dot_general3A {dimension_numbers = #tpu.dot_dimension_numbers<[1], [0], [0], [1], [0, 0, 1, 1], [], []>, transpose_lhs_hint = false} : vector<1264x128xf32>, vector<128x256xf32>, vector<1264x256xf32> -> vector<1264x256xf32>
    %get3A_24 = arith.constant 0 : index
    %get3A_25 = arith.constant 0 : index
    %get3A_26 = vector.load %arg7[%get3A_24, %get3A_25] : memref<1x256xf32, #tpu.memory_space<vmem>>, vector<1x256xf32>
    %add3A_27 = vector.broadcast %get3A_26 : vector<1x256xf32> to vector<1264x256xf32>
    %add3A_28 = arith.addf %dot_general3A_23, %add3A_27 : vector<1264x256xf32>
    %max3A = arith.constant 0.000000e+00 : f32
    %max3A_29 = vector.broadcast %max3A : f32 to vector<1264x256xf32>
    %max3A_30 = arith.maximumf %add3A_28, %max3A_29 : vector<1264x256xf32>
    %get3A_31 = arith.constant 0 : index
    %get3A_32 = arith.constant 0 : index
    %get3A_33 = vector.load %arg8[%get3A_31, %get3A_32] : memref<256x64xf32, #tpu.memory_space<vmem>>, vector<256x64xf32>
    %dot_general3A_34 = arith.constant dense<0.000000e+00> : vector<1264x64xf32>
    %dot_general3A_35 = tpu.matmul %max3A_30, %get3A_33, %dot_general3A_34 {dimension_numbers = #tpu.dot_dimension_numbers<[1], [0], [0], [1], [0, 0, 1, 1], [], []>, transpose_lhs_hint = false} : vector<1264x256xf32>, vector<256x64xf32>, vector<1264x64xf32> -> vector<1264x64xf32>
    %broadcast_in_dim3A_36 = vector.shape_cast %rsqrt3A : vector<1264x1xf32> to vector<1264x1xf32>
    %broadcast_in_dim3A_37 = vector.broadcast %broadcast_in_dim3A_36 : vector<1264x1xf32> to vector<1264x64xf32>
    %mul3A_38 = arith.mulf %broadcast_in_dim3A_37, %dot_general3A_35 : vector<1264x64xf32>
    %broadcast_in_dim3A_39 = arith.constant 0.000000e+00 : f32
    %broadcast_in_dim3A_40 = vector.broadcast %broadcast_in_dim3A_39 : f32 to vector<1264x64xf32>
    %concatenate3A = tpu.concatenate %mul3A_38, %broadcast_in_dim3A_40 in 1 : vector<1264x64xf32>, vector<1264x64xf32> -> vector<1264x128xf32>
    %swap3A = arith.constant 0 : index
    %swap3A_41 = arith.constant 0 : index
    %swap3A_42 = vector.load %arg9[%swap3A, %swap3A_41] : memref<1264x128xf32, #tpu.memory_space<vmem>>, vector<1264x128xf32>
    tpu.vector_store %arg9[%swap3A, %swap3A_41], %concatenate3A {strides = array<i32>} : memref<1264x128xf32, #tpu.memory_space<vmem>>, vector<1264x128xf32>,
    return
  }
  func.func @transform_0(%arg0: i32) -> (i32, i32) {
    %c0_i32 = arith.constant 0 : i32
    %c0_i32_0 = arith.constant 0 : i32
    return %arg0, %c0_i32 : i32, i32
  }
  func.func @transform_1(%arg0: i32) -> (i32, i32) {
    %c0_i32 = arith.constant 0 : i32
    %c0_i32_0 = arith.constant 0 : i32
    return %arg0, %c0_i32 : i32, i32
  }
  func.func @transform_2(%arg0: i32) -> (i32, i32) {
    %c0_i32 = arith.constant 0 : i32
    %c0_i32_0 = arith.constant 0 : i32
    return %arg0, %c0_i32 : i32, i32
  }
  func.func @transform_3(%arg0: i32) -> (i32, i32) {
    %c0_i32 = arith.constant 0 : i32
    %c0_i32_0 = arith.constant 0 : i32
    return %arg0, %c0_i32 : i32, i32
  }
  func.func @transform_4(%arg0: i32) -> (i32, i32) {
    %c0_i32 = arith.constant 0 : i32
    %c0_i32_0 = arith.constant 0 : i32
    return %arg0, %c0_i32 : i32, i32
  }
  func.func @transform_5(%arg0: i32) -> (i32, i32) {
    %c0_i32 = arith.constant 0 : i32
    %c0_i32_0 = arith.constant 0 : i32
    %c0_i32_1 = arith.constant 0 : i32
    return %c0_i32, %c0_i32_0 : i32, i32
  }
  func.func @transform_6(%arg0: i32) -> (i32, i32) {
    %c0_i32 = arith.constant 0 : i32
    %c0_i32_0 = arith.constant 0 : i32
    %c0_i32_1 = arith.constant 0 : i32
    return %c0_i32, %c0_i32_0 : i32, i32
  }
  func.func @transform_7(%arg0: i32) -> (i32, i32) {
    %c0_i32 = arith.constant 0 : i32
    %c0_i32_0 = arith.constant 0 : i32
    %c0_i32_1 = arith.constant 0 : i32
    return %c0_i32, %c0_i32_0 : i32, i32
  }
  func.func @transform_8(%arg0: i32) -> (i32, i32) {
    %c0_i32 = arith.constant 0 : i32
    %c0_i32_0 = arith.constant 0 : i32
    return %arg0, %c0_i32 : i32, i32
  }
}

module attributes {stable_mosaic.version = 14 : i64} {
  func.func @_tc3_body(%arg0: i32, %arg1: memref<1264x1xf32, #tpu.memory_space<vmem>>, %arg2: memref<1264x1xf32, #tpu.memory_space<vmem>>, %arg3: memref<1264x128xf32, #tpu.memory_space<vmem>>, %arg4: memref<1264x128xf32, #tpu.memory_space<vmem>>, %arg5: memref<1264x128xf32, #tpu.memory_space<vmem>>, %arg6: memref<1x64xf32, #tpu.memory_space<vmem>>, %arg7: memref<1264x64xf32, #tpu.memory_space<vmem>>) attributes {dimension_semantics = [#tpu.dimension_semantics<arbitrary>], iteration_bounds = array<i64: 8>, scalar_prefetch = 0 : i64, scratch_operands = 0 : i64, tpu.core_type = #tpu.core_type<tc>, window_params = [{transform_indices = @transform_0, window_bounds = array<i64: 1264, 1>}, {transform_indices = @transform_1, window_bounds = array<i64: 1264, 1>}, {transform_indices = @transform_2, window_bounds = array<i64: 1264, 128>}, {transform_indices = @transform_3, window_bounds = array<i64: 1264, 128>}, {transform_indices = @transform_4, window_bounds = array<i64: 1264, 128>}, {pipeline_mode = #tpu.pipeline_mode<synchronous>, transform_indices = @transform_5, window_bounds = array<i64: 1, 64>}, {transform_indices = @transform_6, window_bounds = array<i64: 1264, 64>}]} {
    %get3A = arith.constant 0 : index
    %get3A_0 = arith.constant 0 : index
    %get3A_1 = vector.load %arg1[%get3A, %get3A_0] : memref<1264x1xf32, #tpu.memory_space<vmem>>, vector<1264x1xf32>
    %add3A = arith.constant 1.000000e+00 : f32
    %add3A_2 = vector.broadcast %add3A : f32 to vector<1264x1xf32>
    %add3A_3 = arith.addf %add3A_2, %get3A_1 : vector<1264x1xf32>
    %get3A_4 = arith.constant 0 : index
    %get3A_5 = arith.constant 0 : index
    %get3A_6 = vector.load %arg2[%get3A_4, %get3A_5] : memref<1264x1xf32, #tpu.memory_space<vmem>>, vector<1264x1xf32>
    %add3A_7 = arith.addf %add3A_3, %get3A_6 : vector<1264x1xf32>
    %rsqrt3A = math.rsqrt %add3A_7 : vector<1264x1xf32>
    %get3A_8 = arith.constant 0 : index
    %get3A_9 = arith.constant 0 : index
    %get3A_10 = vector.load %arg3[%get3A_8, %get3A_9] : memref<1264x128xf32, #tpu.memory_space<vmem>>, vector<1264x128xf32>
    %get3A_11 = arith.constant 0 : index
    %get3A_12 = arith.constant 0 : index
    %get3A_13 = vector.load %arg4[%get3A_11, %get3A_12] : memref<1264x128xf32, #tpu.memory_space<vmem>>, vector<1264x128xf32>
    %add3A_14 = arith.addf %get3A_10, %get3A_13 : vector<1264x128xf32>
    %get3A_15 = arith.constant 0 : index
    %get3A_16 = arith.constant 0 : index
    %get3A_17 = vector.load %arg5[%get3A_15, %get3A_16] : memref<1264x128xf32, #tpu.memory_space<vmem>>, vector<1264x128xf32>
    %add3A_18 = arith.addf %add3A_14, %get3A_17 : vector<1264x128xf32>
    %broadcast_in_dim3A = vector.shape_cast %rsqrt3A : vector<1264x1xf32> to vector<1264x1xf32>
    %broadcast_in_dim3A_19 = vector.broadcast %broadcast_in_dim3A : vector<1264x1xf32> to vector<1264x64xf32>
    %slice3A = vector.extract_strided_slice %add3A_18 {offsets = [0, 0], sizes = [1264, 64], strides = [1, 1]} : vector<1264x128xf32> to vector<1264x64xf32>
    %mul3A = arith.mulf %broadcast_in_dim3A_19, %slice3A : vector<1264x64xf32>
    %get3A_20 = arith.constant 0 : index
    %get3A_21 = arith.constant 0 : index
    %get3A_22 = vector.load %arg6[%get3A_20, %get3A_21] : memref<1x64xf32, #tpu.memory_space<vmem>>, vector<1x64xf32>
    %add3A_23 = vector.broadcast %get3A_22 : vector<1x64xf32> to vector<1264x64xf32>
    %add3A_24 = arith.addf %mul3A, %add3A_23 : vector<1264x64xf32>
    %reduce_max3A = arith.constant dense<0xFF800000> : vector<1264xf32>
    %reduce_max3A_25 = vector.multi_reduction <maximumf>, %add3A_24, %reduce_max3A [1] : vector<1264x64xf32> to vector<1264xf32>
    %broadcast_in_dim3A_26 = vector.shape_cast %reduce_max3A_25 : vector<1264xf32> to vector<1264x1xf32>
    %sub3A = vector.broadcast %broadcast_in_dim3A_26 : vector<1264x1xf32> to vector<1264x64xf32>
    %sub3A_27 = arith.subf %add3A_24, %sub3A : vector<1264x64xf32>
    %exp3A = math.exp %sub3A_27 : vector<1264x64xf32>
    %reduce_sum3A = arith.constant dense<0.000000e+00> : vector<1264xf32>
    %reduce_sum3A_28 = vector.multi_reduction <add>, %exp3A, %reduce_sum3A [1] : vector<1264x64xf32> to vector<1264xf32>
    %broadcast_in_dim3A_29 = vector.shape_cast %reduce_sum3A_28 : vector<1264xf32> to vector<1264x1xf32>
    %log3A = math.log %broadcast_in_dim3A_29 : vector<1264x1xf32>
    %sub3A_30 = vector.broadcast %broadcast_in_dim3A_26 : vector<1264x1xf32> to vector<1264x64xf32>
    %sub3A_31 = arith.subf %add3A_24, %sub3A_30 : vector<1264x64xf32>
    %sub3A_32 = vector.broadcast %log3A : vector<1264x1xf32> to vector<1264x64xf32>
    %sub3A_33 = arith.subf %sub3A_31, %sub3A_32 : vector<1264x64xf32>
    %swap3A = arith.constant 0 : index
    %swap3A_34 = arith.constant 0 : index
    %swap3A_35 = vector.load %arg7[%swap3A, %swap3A_34] : memref<1264x64xf32, #tpu.memory_space<vmem>>, vector<1264x64xf32>
    tpu.vector_store %arg7[%swap3A, %swap3A_34], %sub3A_33 {strides = array<i32>} : memref<1264x64xf32, #tpu.memory_space<vmem>>, vector<1264x64xf32>,
    return
  }
  func.func @transform_0(%arg0: i32) -> (i32, i32) {
    %c0_i32 = arith.constant 0 : i32
    %c0_i32_0 = arith.constant 0 : i32
    return %arg0, %c0_i32 : i32, i32
  }
  func.func @transform_1(%arg0: i32) -> (i32, i32) {
    %c0_i32 = arith.constant 0 : i32
    %c0_i32_0 = arith.constant 0 : i32
    return %arg0, %c0_i32 : i32, i32
  }
  func.func @transform_2(%arg0: i32) -> (i32, i32) {
    %c0_i32 = arith.constant 0 : i32
    %c0_i32_0 = arith.constant 0 : i32
    return %arg0, %c0_i32 : i32, i32
  }
  func.func @transform_3(%arg0: i32) -> (i32, i32) {
    %c0_i32 = arith.constant 0 : i32
    %c0_i32_0 = arith.constant 0 : i32
    return %arg0, %c0_i32 : i32, i32
  }
  func.func @transform_4(%arg0: i32) -> (i32, i32) {
    %c0_i32 = arith.constant 0 : i32
    %c0_i32_0 = arith.constant 0 : i32
    return %arg0, %c0_i32 : i32, i32
  }
  func.func @transform_5(%arg0: i32) -> (i32, i32) {
    %c0_i32 = arith.constant 0 : i32
    %c0_i32_0 = arith.constant 0 : i32
    %c0_i32_1 = arith.constant 0 : i32
    return %c0_i32, %c0_i32_0 : i32, i32
  }
  func.func @transform_6(%arg0: i32) -> (i32, i32) {
    %c0_i32 = arith.constant 0 : i32
    %c0_i32_0 = arith.constant 0 : i32
    return %arg0, %c0_i32 : i32, i32
  }
}

</mosaic_0001>

<sc_bundles>
// kernel: kernel.11.cloned.1.call-start
scs
__scs_entry_jumppad:
0x0: {  	(pc) =	sbr.rel $0x88, $3  }
0x1: {  	(tag) =	ssettag $0x0;
	lr =	simm.s32 $0x1  }
0x2: {  	[smem:$0x3F9B] =	sst lr;
	_ =	strace $0xD0000000  }
0x3: {  	_ = 	snop  }
0x4: {  	_ = 	snop  }
0x5: {  	_ = 	snop  }
0x6: {  	_ = 	snop  }
0x7: {  	_ = 	snop  }
__scs_overlays_trampoline_lowered:
0x8: {  	[smem:$0x3FAA] =	sst s0  }
0x9: {  	[smem:$0x3FAB] =	sst s1  }
0xa: {  	[smem:$0x3FAC] =	sst s2  }
0xb: {  	[smem:$0x3FAD] =	sst s3  }
0xc: {  	[smem:$0x3FAE] =	sst s4  }
0xd: {  	[smem:$0x3FAF] =	sst s5  }
0xe: {  	[smem:$0x3FB0] =	sst s6  }
0xf: {  	[smem:$0x3FB1] =	sst s7  }
0x10: {  	[smem:$0x3FB2] =	sst s8  }
0x11: {  	[smem:$0x3FB3] =	sst s9;
	s0 =	simm.s32 @!p0 $0x0  }
0x12: {  	s1 =	sld [smem:$0x3F99];
	s0 =	simm.s32 @p0 $0x1  }
0x13: {  	[smem:$0x3FB4] =	sst s0;
	s0 =	simm.s32 @!p1 $0x0  }
0x14: {  	s2 =	sld [smem:$0x3F98];
	s0 =	simm.s32 @p1 $0x1  }
0x15: {  	[smem:$0x3FB5] =	sst s0;
	s0 =	simm.s32 @!p2 $0x0  }
0x16: {  	s3 =	sld [smem:$0x3FDB];
	s0 =	simm.s32 @p2 $0x1  }
0x17: {  	s4 =	simm.s32 $0x1BF5;
	[smem:$0x3FB7] =	sst s0  }
0x18: {  	s0 =	sld [smem:$0x3F9A];
	_ =	swait.ge [sflag:s4], $0x0  }
0x19: {  	s7 =	sld [smem:$0x3F9B]  }
0x1a: {  	s8 =	sadd.s32 $0xFFFFE003, lr  }
0x1b: {  	s9 =	sadd.s32 $0xFFFFFEF7, lr;
	s5 =	simm.s32 $0xFFFFFFFF;
	p2 =	slt.u32 s8, $0xFFFFF086  }
0x1c: {  	p1 =	slt.u32 s9, $0xF7A;
	s5 =	simm.s32 @!p2 $0x0  }
0x1d: {  	s5 =	simm.s32 @p1 $0x1;
	p0 =	seq.s32 s7, s2  }
0x1e: {  	s7 =	smul.u32 @!p0 $0xF7A, s2;
	p2 =	seq.s32 @!p0 s5, $0x0  }
0x1f: {  	s9 =	smul.u32 $0xF7A, s1;
	s8 =	simm.s32 @!p0 $0x1BF5;
	p2 =	por !p2, p0  }
0x20: {  	[sflag:s8] =	ssyncset.s32 @!p0 $0xFFFFF086;
	s6 =	sadd.s32 @!p0 s3, s7;
	s7 =	simm.s32 @!p0 $0x108  }
0x21: {  	s3 =	sadd.s32 s3, s9;
	s6 =	sadd.s32 @!p0 $0x88, s6;
	s7 =	simm.s32 @p2 $0x1082  }
0x22: {  	[simem:s7], [sflag:s8] =	dma.local @!p0 [hbm:s6], $0xF7A  }
0x23: {  	s9 =	sor.u32 $0xD0000000, s2;
	s6 =	simm.s32 $0x108;
	_ =	swait.ge @!p0 [sflag:s8], $0x0  }
0x24: {  	s3 =	sadd.s32 $0x88, s3;
	s6 =	simm.s32 @!p1 $0x1082;
	[sflag:s4] =	ssyncset.s32 $0xFFFFF086  }
0x25: {  	[simem:s6], [sflag:s4] =	dma.local [hbm:s3], $0xF7A  }
0x26: {  	[smem:$0x3F9B] =	sst s1;
	(tag) =	ssettag s2;
	_ =	strace s9  }
0x27: {  	s1 =	sld [smem:$0x3FAB]  }
0x28: {  	s2 =	sld [smem:$0x3FAC]  }
0x29: {  	s4 =	sld [smem:$0x3FAE]  }
0x2a: {  	p0 =	seq.s32 s5, $0x0;
	s5 =	sld [smem:$0x3FAF]  }
0x2b: {  	s6 =	sld [smem:$0x3FB0]  }
0x2c: {  	s7 =	sld [smem:$0x3FB1]  }
0x2d: {  	s3 =	simm.s32 $0x108;
	s8 =	sld [smem:$0x3FB2]  }
0x2e: {  	s3 =	simm.s32 @!p0 $0x1082;
	s9 =	sld [smem:$0x3FB3]  }
0x2f: {  	lr =	sadd.s32 s0, s3;
	s0 =	sld [smem:$0x3FAA]  }
0x30: {  	s3 =	sld [smem:$0x3FAD]  }
0x31: {  	[smem:$0x3FB6] =	sst s10  }
0x32: {  	s10 =	sld [smem:$0x3FB4];
	_ =	sdelay $0x3  }
0x33: {  	p0 =	seq.s32 s10, $0x1;
	s10 =	sld [smem:$0x3FB6];
	_ =	sdelay $0x3  }
0x34: {  	[smem:$0x3FB6] =	sst s10  }
0x35: {  	s10 =	sld [smem:$0x3FB5];
	_ =	sdelay $0x3  }
0x36: {  	p1 =	seq.s32 s10, $0x1;
	s10 =	sld [smem:$0x3FB6];
	_ =	sdelay $0x3  }
0x37: {  	[smem:$0x3FB6] =	sst s10  }
0x38: {  	s10 =	sld [smem:$0x3FB7]  }
0x39: {  	_ = 	snop;
	(pc) =	sbr.ind lr, $3  }
0x3a: {  	_ = 	snop  }
0x3b: {  	_ = 	snop  }
0x3c: {  	p2 =	seq.s32 s10, $0x1;
	s10 =	sld [smem:$0x3FB6]  }
0x3d: {  	_ =	shalt  }
0x3e: {  	_ =	shalt  }
0x3f: {  	_ =	shalt  }
0x40: {  	_ =	shalt  }
0x41: {  	_ =	shalt  }
0x42: {  	_ =	shalt  }
0x43: {  	_ =	shalt  }
0x44: {  	_ =	shalt  }
0x45: {  	_ =	shalt  }
0x46: {  	_ =	shalt  }
0x47: {  	_ =	shalt  }
0x48: {  	_ =	shalt  }
0x49: {  	_ =	shalt  }
0x4a: {  	_ =	shalt  }
0x4b: {  	_ =	shalt  }
0x4c: {  	_ =	shalt  }
0x4d: {  	_ =	shalt  }
0x4e: {  	_ =	shalt  }
0x4f: {  	_ =	shalt  }
0x50: {  	_ =	shalt  }
0x51: {  	_ =	shalt  }
0x52: {  	_ =	shalt  }
0x53: {  	_ =	shalt  }
0x54: {  	_ =	shalt  }
0x55: {  	_ =	shalt  }
0x56: {  	_ =	shalt  }
0x57: {  	_ =	shalt  }
0x58: {  	_ =	shalt  }
0x59: {  	_ =	shalt  }
0x5a: {  	_ =	shalt  }
0x5b: {  	_ =	shalt  }
0x5c: {  	_ =	shalt  }
0x5d: {  	_ =	shalt  }
0x5e: {  	_ =	shalt  }
0x5f: {  	_ =	shalt  }
0x60: {  	_ =	shalt  }
0x61: {  	_ =	shalt  }
0x62: {  	_ =	shalt  }
0x63: {  	_ =	shalt  }
0x64: {  	_ =	shalt  }
0x65: {  	_ =	shalt  }
0x66: {  	_ =	shalt  }
0x67: {  	_ =	shalt  }
0x68: {  	_ =	shalt  }
0x69: {  	_ =	shalt  }
0x6a: {  	_ =	shalt  }
0x6b: {  	_ =	shalt  }
0x6c: {  	_ =	shalt  }
0x6d: {  	_ =	shalt  }
0x6e: {  	_ =	shalt  }
0x6f: {  	_ =	shalt  }
0x70: {  	_ =	shalt  }
0x71: {  	_ =	shalt  }
0x72: {  	_ =	shalt  }
0x73: {  	_ =	shalt  }
0x74: {  	_ =	shalt  }
0x75: {  	_ =	shalt  }
0x76: {  	_ =	shalt  }
0x77: {  	_ =	shalt  }
0x78: {  	_ =	shalt  }
0x79: {  	_ =	shalt  }
0x7a: {  	_ =	shalt  }
0x7b: {  	_ =	shalt  }
0x7c: {  	_ =	shalt  }
0x7d: {  	_ =	shalt  }
0x7e: {  	_ =	shalt  }
0x7f: {  	_ =	shalt  }
0x80: {  	_ =	shalt  }
0x81: {  	_ =	shalt  }
0x82: {  	_ =	shalt  }
0x83: {  	_ =	shalt  }
0x84: {  	_ =	shalt  }
0x85: {  	_ =	shalt  }
0x86: {  	_ =	shalt  }
0x87: {  	_ =	shalt  }
.Lfunc_end0:
.L_simem_size_0:
called_computation.1_lowered:
.L_overlay_start_0:
0x88: {  	s2 =	sld [smem:$0x3FD9]  }
0x89: {  	s3 =	sld [smem:$0x3FFE];
	_ =	sdelay $0x1  }
0x8a: {  	s1 =	srdreg.scid  }
0x8b: {  	s0 =	sand.u32 $0x1, s1  }
0x8c: {  	s17 =	sshll.u32 s0, $0xA;
	s2 =	sadd.s32 s3, s2  }
0x8d: {  	s2 =	sadd.s32 s2, s17  }
0x8e: {  	[smem:$0x3FC2] =	sst s2  }
0x8f: {  	_ = 	snop  }
0x90: {  	s2 =	sld [smem:$0x3FD0];
	(tm) =	ssettm $0x1  }
0x91: {  	s18 =	sld [smem:$0x3FFB];
	_ =	sdelay $0x3  }
0x92: {  	_ =	strace s18  }
0x93: {  	s3 =	sld [smem:$0x3FFC];
	_ =	sdelay $0x3  }
0x94: {  	_ =	strace s3  }
0x95: {  	s3 =	sld [smem:$0x3FFD];
	_ =	sdelay $0x3  }
0x96: {  	_ =	strace s3  }
0x97: {  	_ =	strace $0x8FFFFFFF  }
0x98: {  	s19 =	sld [smem:$0x3FDB];
	_ =	sdelay $0x1  }
0x99: {  	s4 =	simm.s32 $_scs_section_size  }
0x9a: {  	s5 =	simm.s32 $_size__tile_overlayer_lowered;
	s6 =	simm.s32 $_tile_overlayer_lowered  }
0x9b: {  	s22 =	simm.s32 $0x1BFF;
	s21 =	sshll.u32 s6, $0x1;
	s3 =	sadd.s32 s4, s19  }
0x9c: {  	s7 =	simm.s32 $0x0;
	s20 =	sshll.u32 s5, $0x1;
	s5 =	sadd.s32 s21, s3  }
0x9d: {  	[timem:s7], [sflag:s22] =	dma.local [hbm:s5], s20  }
0x9e: {  	_ =	swait.ge [sflag:s22], s20  }
0x9f: {  	s4 =	ssub.s32 $0x0, s20;
	[sflag:s22] =	ssyncset.done $0x0  }
0xa0: {  	[sflag:s22] =	ssyncadd.s32 s4;
	_ =	sdelay $0x1  }
0xa1: {  	s23 =	simm.s32 $0x1B8B  }
0xa2: {  	_ =	swait.ge [sflag:s23], $0x1  }
0xa3: {  	[sflag:s23] =	ssyncset.done $0x0  }
0xa4: {  	s25 =	simm.s32 $0x1B8E;
	s24 =	sld [smem:$0x3FFE];
	[sflag:s23] =	ssyncadd.s32 $0xFFFFFFFF  }
0xa5: {  	s26 =	simm.s32 $execute0_lowered;
	[smem:$0x3FD2] =	sst s25  }
0xa6: {  	s5 =	sshll.u32 s26, $0x1;
	_ =	strace $0x80000049;
	[dreg:$0x1] =	wrdreg $0xFFFFFFFF  }
0xa7: {  	s28 =	simm.s32 $_size_execute0_lowered;
	s3 =	sadd.s32 s3, s5;
	[dreg:$0x0] =	wrdreg $0x0  }
0xa8: {  	s5 =	sshll.u32 s28, $0x1;
	[dreg:$0x2] =	wrdreg s3  }
0xa9: {  	[dreg:$0x3] =	wrdreg s5  }
0xaa: {  	[dreg:$0x4] =	wrdreg $0xC0  }
0xab: {  	_ =	task [dreg:s7], $0x5FFFF  }
0xac: {  	[dreg:$0x1] =	wrdreg $0xFFFFFFFF  }
0xad: {  	[dreg:$0x0] =	wrdreg $0x60  }
0xae: {  	[dreg:$0x2] =	wrdreg s24  }
0xaf: {  	[dreg:$0x3] =	wrdreg s2  }
0xb0: {  	[dreg:$0x4] =	wrdreg $0x82000  }
0xb1: {  	[dreg:$0x5] =	wrdreg $0x9  }
0xb2: {  	_ =	task.clear_ibuf [dreg:s7], $0x6FFFF;
	_ =	strace $0x90000049  }
0xb3: {  	s29 =	simm.s32 $0x9;
	_ =	strace $0x8000004B  }
0xb4: {  	_ =	swait.ge [sflag:s29], $0x1  }
0xb5: {  	[sflag:s29] =	ssyncadd.s32 $0xFFFFFFFF  }
0xb6: {  	_ =	strace $0x9000004B  }
0xb7: {  	_ =	sfence  }
0xb8: {  	s30 =	sld [smem:$0x0];
	_ =	sdelay $0x2  }
0xb9: {  	s31 =	sshll.u32 s1, $0xD;
	s1 =	sshrl.u32 s1, $0x2  }
0xba: {  	s3 =	sand.u32 $0x4000, s31;
	s1 =	sadd.s32 s1, s30  }
0xbb: {  	s0 =	sor.u32 s3, s0;
	s1 =	sshll.u32 s1, $0x11  }
0xbc: {  	s0 =	sor.u32 s1, s0  }
0xbd: {  	s0 =	sadd.s32 $0x8F2B, s0  }
0xbe: {  	[sflag:s0] =	ssyncadd.remote.s32 $0x1  }
0xbf: {  	_ =	sfence.sel $0xFFFF  }
0xc0: {  	[dreg:$0x0] =	wrdreg $0xFFFFFFFF;
	(pc) =	sbr.abs _section_cstart, $3  }
0xc1: {  	[dreg:$0x1] =	wrdreg $0xFFFFFFFF  }
0xc2: {  	_ =	task.clear_ibuf [dreg:s7], $0x2FFFF;
	_ =	strace $0x9FFFFFFF  }
0xc3: {  	(tm) =	ssettm $0x7FFFFFFF  }
tec
execute0_lowered:
.L_overlay_start_1:
0x0: {  	(tag) =	ssettag $0x1  }
0x1: {  	s13 =	rddreg [dreg:$0x0]  }
0x2: {  	s1 =	rddreg [dreg:$0x1]  }
0x3: {  	s2 =	rddreg [dreg:$0x2];
	s4 =	simm.s32 $0x0;
	s5 =	srdreg.scid  }
0x4: {  	s3 =	stileid.u32;
	s22 =	simm.s32 $0x180;
	s23 =	simm.s32 $0x4200  }
0x5: {  	s24 =	simm.s32 $0x3;
	s25 =	simm.s32 $0x5;
	s26 =	simm.s32 $0x4  }
0x6: {  	s28 =	simm.s32 $0x0;
	[smem:$0x7FF] =	sst s4;
	s14 =	sadd.s32 $0xEC00, s13  }
0x7: {  	s12 =	sand.u32 $0x1, s5;
	s31 =	sshll.u32 s3, $0x4;
	s9 =	smul.u32 $0x4F000, s3  }
0x8: {  	s15 =	sadd.s32 $0x4C00, s13;
	s5 =	sadd.s32 $0x68C00, s13;
	s21 =	smul.u32 $0x2780, s3  }
0x9: {  	_ =	strace $0x8000004A;
	s16 =	sshll.u32 s12, $0x8;
	s17 =	sand.u32 $0x80, s31  }
0xa: {  	s6 =	ssub.s32 $0x2, s12;
	s18 =	sand.u32 $0x70, s31;
	p0 =	seq.s32 s12, $0x1  }
0xb: {  	s7 =	sor.u32 s17, s16;
	s8 =	sshrl.u32 s6, $0x1;
	s9 =	sshrl.u32 s9, $0x2  }
0xc: {  	s10 =	sor.u32 s18, s7;
	s19 =	ssub.s32 s6, s8;
	s8 =	sshll.u32 s3, $0x6  }
0xd: {  	s20 =	sadd.s32 s9, s2;
	s6 =	sadd.s32 s14, s10;
	s7 =	sadd.s32 s15, s10  }
0xe: {  	s9 =	sor.u32 $0x1C02, s8;
	s11 =	sor.u32 $0x200, s10;
	s12 =	smax.u32 s19, $0x1  }
0xf: {  	s19 =	simm.s32 $0xB7C00;
	s10 =	sadd.s32 s14, s11;
	s11 =	sadd.s32 s15, s11  }
0x10: {  	s19 =	simm.s32 @!p0 $0x90400;
	s14 =	sadd.s32 s16, s14;
	s15 =	sadd.s32 s16, s15  }
0x11: {  	s16 =	simm.s32 $0x100;
	s13 =	sadd.s32 s19, s13;
	s14 =	sadd.s32 s17, s14  }
0x12: {  	s15 =	sadd.s32 s17, s15;
	s17 =	sshrl.u32 s20, $0x3;
	s19 =	simm.s32 $0x1  }
0x13: {  	s20 =	simm.s32 $0x80;
	s13 =	sadd.s32 s13, s21;
	s14 =	sadd.s32 s18, s14  }
0x14: {  	s15 =	sadd.s32 s18, s15;
	s18 =	simm.s32 $0x2;
	s21 =	simm.s32 $0x200  }
.LBB2_1:
0x15: {  	[tilespmem:s4], [sflag:$0x1] =	stream.linear.gather [hbm4b:s6+s4], $0x80, $0x38;
	[tilespmem:$0x1BE00] =	vst v63  }
0x16: {  	_ = 	snop  }
0x17: {  	[tilespmem:s16], [sflag:$0x1] =	stream.linear.gather [hbm4b:s7+s4], $0x80, $0x38;
	[tilespmem:$0x1BE00] =	vst v63  }
0x18: {  	[spmem:s17], [sflag:s9] =	dma.local [hbm:s1], $0x2780  }
0x19: {  	_ =	swait.ge [sflag:s18], $0x2780  }
0x1a: {  	[sflag:s18] =	ssyncset.done $0x0  }
0x1b: {  	[sflag:s18] =	ssyncadd.s32 $0xFFFFD880  }
0x1c: {  	[bflag:$0x0] =	sbarrier.arrive $0xFFFF  }
0x1d: {  	_ =	swait.ge [sflag:s19], $0x80  }
0x1e: {  	[sflag:s19] =	ssyncset.done $0x0  }
0x1f: {  	[sflag:s19] =	ssyncadd.s32 $0xFFFFFF80  }
0x20: {  	_ =	swait.ge [sflag:s19], $0x80  }
0x21: {  	[sflag:s19] =	ssyncset.done $0x0  }
0x22: {  	[sflag:s19] =	ssyncadd.s32 $0xFFFFFF80  }
0x23: {  	[tilespmem:s21], [sflag:$0x3] =	stream.indirect.gather [hbm4b:s5+s20], $0x80, s4, s20, $0xb8;
	[tilespmem:$0x1BE00] =	vst v63  }
0x24: {  	_ = 	snop  }
0x25: {  	[tilespmem:s20], [sflag:$0x2] =	stream.linear.gather [hbm4b:s10+s4], $0x80, $0x38;
	[tilespmem:$0x1BE00] =	vst v63  }
0x26: {  	_ = 	snop  }
0x27: {  	[tilespmem:s22], [sflag:$0x2] =	stream.linear.gather [hbm4b:s11+s4], $0x80, $0x38;
	[tilespmem:$0x1BE00] =	vst v63  }
0x28: {  	_ =	swait.ge [sflag:s18], $0x80  }
0x29: {  	[sflag:s18] =	ssyncset.done $0x0  }
0x2a: {  	[sflag:s18] =	ssyncadd.s32 $0xFFFFFF80  }
0x2b: {  	_ =	swait.ge [sflag:s18], $0x80  }
0x2c: {  	[sflag:s18] =	ssyncset.done $0x0  }
0x2d: {  	[sflag:s18] =	ssyncadd.s32 $0xFFFFFF80  }
0x2e: {  	[tilespmem:s23], [sflag:$0x4] =	stream.indirect.gather [hbm4b:s5+s20], $0x80, s20, s20, $0xb8;
	[tilespmem:$0x1BE00] =	vst v63  }
0x2f: {  	_ =	swait.ge [sflag:s24], $0x4000  }
0x30: {  	[sflag:s24] =	ssyncset.done $0x0  }
0x31: {  	[sflag:s24] =	ssyncadd.s32 $0xFFFFC000  }
0x32: {  	[spmem:s2] =	stream.indirect.scatter.add.f32 [tilespmem:s21], [sflag:$0x5], $0x80, s16, s20, $0xb8;
	[tilespmem:$0x1BE00] =	vst v63  }
0x33: {  	_ =	swait.ge [sflag:s25], $0x4000  }
0x34: {  	s29 =	sadd.s32 $0x0, s14;
	[sflag:s25] =	ssyncset.done $0x0  }
0x35: {  	s31 =	sadd.s32 $0x0, s15;
	s30 =	sadd.s32 $0x400, s29;
	[sflag:s25] =	ssyncadd.s32 $0xFFFFC000  }
0x36: {  	[tilespmem:s4], [sflag:$0x1] =	stream.linear.gather [hbm4b:s30+s4], $0x80, $0x38;
	[tilespmem:$0x1BE00] =	vst v63  }
0x37: {  	s30 =	sadd.s32 $0x400, s31  }
0x38: {  	[tilespmem:s16], [sflag:$0x1] =	stream.linear.gather [hbm4b:s30+s4], $0x80, $0x38;
	[tilespmem:$0x1BE00] =	vst v63  }
0x39: {  	_ =	swait.ge [sflag:s19], $0x80  }
0x3a: {  	[sflag:s19] =	ssyncset.done $0x0  }
0x3b: {  	[sflag:s19] =	ssyncadd.s32 $0xFFFFFF80  }
0x3c: {  	_ =	swait.ge [sflag:s19], $0x80  }
0x3d: {  	[sflag:s19] =	ssyncset.done $0x0  }
0x3e: {  	[sflag:s19] =	ssyncadd.s32 $0xFFFFFF80  }
0x3f: {  	[tilespmem:s21], [sflag:$0x3] =	stream.indirect.gather [hbm4b:s5+s20], $0x80, s4, s20, $0xb8;
	[tilespmem:$0x1BE00] =	vst v63  }
0x40: {  	_ =	swait.ge [sflag:s26], $0x4000  }
0x41: {  	[sflag:s26] =	ssyncset.done $0x0  }
0x42: {  	[sflag:s26] =	ssyncadd.s32 $0xFFFFC000  }
0x43: {  	[spmem:s2] =	stream.indirect.scatter.add.f32 [tilespmem:s23], [sflag:$0x5], $0x80, s22, s20, $0xb8;
	[tilespmem:$0x1BE00] =	vst v63  }
0x44: {  	_ =	swait.ge [sflag:s25], $0x4000  }
0x45: {  	[sflag:s25] =	ssyncset.done $0x0  }
0x46: {  	s29 =	sadd.s32 $0x600, s29;
	[sflag:s25] =	ssyncadd.s32 $0xFFFFC000  }
0x47: {  	[tilespmem:s20], [sflag:$0x2] =	stream.linear.gather [hbm4b:s29+s4], $0x80, $0x38;
	[tilespmem:$0x1BE00] =	vst v63  }
0x48: {  	s30 =	sadd.s32 $0x600, s31;
	s29 =	simm.s32 $0x400  }
.LBB2_2:
0x49: {  	[tilespmem:s22], [sflag:$0x2] =	stream.linear.gather [hbm4b:s30+s4], $0x80, $0x38;
	[tilespmem:$0x1BE00] =	vst v63  }
0x4a: {  	s30 =	smov.u32 s29  }
0x4b: {  	p0 =	sne.s32 s29, $0x9800;
	s29 =	sadd.s32 $0x400, s29;
	_ =	swait.ge [sflag:s18], $0x80  }
0x4c: {  	[sflag:s18] =	ssyncset.done $0x0  }
0x4d: {  	[sflag:s18] =	ssyncadd.s32 $0xFFFFFF80  }
0x4e: {  	_ =	swait.ge [sflag:s18], $0x80  }
0x4f: {  	[sflag:s18] =	ssyncset.done $0x0  }
0x50: {  	[sflag:s18] =	ssyncadd.s32 $0xFFFFFF80  }
0x51: {  	[tilespmem:s23], [sflag:$0x4] =	stream.indirect.gather [hbm4b:s5+s20], $0x80, s20, s20, $0xb8;
	[tilespmem:$0x1BE00] =	vst v63  }
0x52: {  	_ =	swait.ge [sflag:s24], $0x4000  }
0x53: {  	[sflag:s24] =	ssyncset.done $0x0  }
0x54: {  	[sflag:s24] =	ssyncadd.s32 $0xFFFFC000  }
0x55: {  	[spmem:s2] =	stream.indirect.scatter.add.f32 [tilespmem:s21], [sflag:$0x5], $0x80, s16, s20, $0xb8;
	[tilespmem:$0x1BE00] =	vst v63  }
0x56: {  	_ =	swait.ge [sflag:s25], $0x4000  }
0x57: {  	s31 =	sadd.s32 s30, s14;
	[sflag:s25] =	ssyncset.done $0x0  }
0x58: {  	s30 =	sadd.s32 s30, s15;
	s0 =	sadd.s32 $0x400, s31;
	[sflag:s25] =	ssyncadd.s32 $0xFFFFC000  }
0x59: {  	[tilespmem:s4], [sflag:$0x1] =	stream.linear.gather [hbm4b:s0+s4], $0x80, $0x38;
	[tilespmem:$0x1BE00] =	vst v63  }
0x5a: {  	s0 =	sadd.s32 $0x400, s30  }
0x5b: {  	[tilespmem:s16], [sflag:$0x1] =	stream.linear.gather [hbm4b:s0+s4], $0x80, $0x38;
	[tilespmem:$0x1BE00] =	vst v63  }
0x5c: {  	_ =	swait.ge [sflag:s19], $0x80  }
0x5d: {  	[sflag:s19] =	ssyncset.done $0x0  }
0x5e: {  	[sflag:s19] =	ssyncadd.s32 $0xFFFFFF80  }
0x5f: {  	_ =	swait.ge [sflag:s19], $0x80  }
0x60: {  	[sflag:s19] =	ssyncset.done $0x0  }
0x61: {  	[sflag:s19] =	ssyncadd.s32 $0xFFFFFF80  }
0x62: {  	[tilespmem:s21], [sflag:$0x3] =	stream.indirect.gather [hbm4b:s5+s20], $0x80, s4, s20, $0xb8;
	[tilespmem:$0x1BE00] =	vst v63  }
0x63: {  	_ =	swait.ge [sflag:s26], $0x4000  }
0x64: {  	[sflag:s26] =	ssyncset.done $0x0  }
0x65: {  	[sflag:s26] =	ssyncadd.s32 $0xFFFFC000  }
0x66: {  	[spmem:s2] =	stream.indirect.scatter.add.f32 [tilespmem:s23], [sflag:$0x5], $0x80, s22, s20, $0xb8;
	[tilespmem:$0x1BE00] =	vst v63  }
.Ltmp0:
0x67: {  	_ =	swait.ge [sflag:s25], $0x4000;
	(pc) =	sbr.rel @p0 .LBB2_2-.Ltmp0, $4  }
0x68: {  	[sflag:s25] =	ssyncset.done $0x0  }
0x69: {  	s0 =	sadd.s32 $0x600, s31;
	[sflag:s25] =	ssyncadd.s32 $0xFFFFC000  }
0x6a: {  	[tilespmem:s20], [sflag:$0x2] =	stream.linear.gather [hbm4b:s0+s4], $0x80, $0x38;
	[tilespmem:$0x1BE00] =	vst v63  }
0x6b: {  	s30 =	sadd.s32 $0x600, s30  }
0x6c: {  	[tilespmem:s22], [sflag:$0x2] =	stream.linear.gather [hbm4b:s30+s4], $0x80, $0x38;
	[tilespmem:$0x1BE00] =	vst v63  }
0x6d: {  	_ =	swait.ge [sflag:s18], $0x80  }
0x6e: {  	[sflag:s18] =	ssyncset.done $0x0  }
0x6f: {  	[sflag:s18] =	ssyncadd.s32 $0xFFFFFF80  }
0x70: {  	_ =	swait.ge [sflag:s18], $0x80  }
0x71: {  	[sflag:s18] =	ssyncset.done $0x0  }
0x72: {  	[sflag:s18] =	ssyncadd.s32 $0xFFFFFF80  }
0x73: {  	[tilespmem:s23], [sflag:$0x4] =	stream.indirect.gather [hbm4b:s5+s20], $0x80, s20, s20, $0xb8;
	[tilespmem:$0x1BE00] =	vst v63  }
0x74: {  	_ =	swait.ge [sflag:s24], $0x4000  }
0x75: {  	[sflag:s24] =	ssyncset.done $0x0  }
0x76: {  	[sflag:s24] =	ssyncadd.s32 $0xFFFFC000  }
0x77: {  	[spmem:s2] =	stream.indirect.scatter.add.f32 [tilespmem:s21], [sflag:$0x5], $0x80, s16, s20, $0xb8;
	[tilespmem:$0x1BE00] =	vst v63  }
0x78: {  	_ =	swait.ge [sflag:s25], $0x4000  }
0x79: {  	[sflag:s25] =	ssyncset.done $0x0  }
0x7a: {  	[sflag:s25] =	ssyncadd.s32 $0xFFFFC000  }
0x7b: {  	_ =	swait.ge [sflag:s26], $0x4000  }
0x7c: {  	[sflag:s26] =	ssyncset.done $0x0  }
0x7d: {  	[sflag:s26] =	ssyncadd.s32 $0xFFFFC000  }
0x7e: {  	[spmem:s2] =	stream.indirect.scatter.add.f32 [tilespmem:s23], [sflag:$0x5], $0x80, s22, s20, $0xb8;
	[tilespmem:$0x1BE00] =	vst v63  }
0x7f: {  	_ =	swait.ge [sflag:s25], $0x4000  }
0x80: {  	s28 =	sadd.s32 $0x1, s28;
	[sflag:s25] =	ssyncset.done $0x0  }
0x81: {  	p0 =	sne.s32 s28, s12;
	[sflag:s25] =	ssyncadd.s32 $0xFFFFC000  }
.Ltmp1:
0x82: {  	s0 =	sor.u32 $0x1C05, s8;
	[bflag:$0x0] =	sbarrier.arrive $0xFFFF;
	(pc) =	sbr.rel @p0 .LBB2_1-.Ltmp1, $4  }
0x83: {  	[hbm:s13], [sflag:s0] =	dma.local [spmem:s17], $0x2780  }
0x84: {  	_ =	swait.ge [sflag:s25], $0x2780  }
0x85: {  	[sflag:s25] =	ssyncset.done $0x0  }
0x86: {  	[sflag:s25] =	ssyncadd.s32 $0xFFFFD880  }
0x87: {  	_ =	sfence.sel $0x180000  }
0x88: {  	[bflag:$0x0] =	sbarrier.arrive $0xFFFF  }
0x89: {  	_ =	strace $0x9000004A  }
0x8a: {  	[bflag:$0x2] =	sbarrier.arrive $0xFFFF  }
0x8b: {  	p0 =	sne.s32 s3, $0x0;
	s0 =	rddreg [dreg:$0x3]  }
0x8c: {  	s0 =	sadd.s32 @!p0 $0x100000, s0  }
0x8d: {  	[sflag:s0] =	ssyncadd.tile.s32 @!p0 $0x1;
	_ =	shalt  }
.Lfunc_end2:
_tile_overlayer_lowered:
.L_overlay_start_2:
0x8e: {  	(tag) =	ssettag $0x2  }
0x8f: {  	s0 =	rddreg [dreg:$0x0];
	s2 =	stileid.u32  }
0x90: {  	s1 =	rddreg [dreg:$0x1];
	p0 =	sne.s32 s2, $0x0  }
0x91: {  	s3 =	rddreg [dreg:$0x2];
	[bflag:$0x3] =	sbarrier.arrive $0xFFFF;
	s2 =	simm.s32 @!p0 $0x1C05  }
0x92: {  	[timem:s3], [sflag:s2] =	dma.local @!p0 [hbm:s0], s1  }
0x93: {  	s0 =	simm.s32 @!p0 $0x5  }
0x94: {  	_ =	swait.ge @!p0 [sflag:s0], s1  }
0x95: {  	s1 =	ssub.s32 @!p0 $0x0, s1;
	[sflag:s0] =	ssyncset.done @!p0 $0x0  }
0x96: {  	[sflag:s0] =	ssyncadd.s32 @!p0 s1  }
0x97: {  	[bflag:$0x3] =	sbarrier.arrive $0xFFFF  }
0x98: {  	_ =	shalt  }

// kernel: kernel.14.cloned.1.call-start
scs
__scs_entry_jumppad:
0x0: {  	(pc) =	sbr.rel $0x88, $3  }
0x1: {  	(tag) =	ssettag $0x0;
	lr =	simm.s32 $0x1  }
0x2: {  	[smem:$0x3F9B] =	sst lr;
	_ =	strace $0xD0000000  }
0x3: {  	_ = 	snop  }
0x4: {  	_ = 	snop  }
0x5: {  	_ = 	snop  }
0x6: {  	_ = 	snop  }
0x7: {  	_ = 	snop  }
__scs_overlays_trampoline_lowered:
0x8: {  	[smem:$0x3FAA] =	sst s0  }
0x9: {  	[smem:$0x3FAB] =	sst s1  }
0xa: {  	[smem:$0x3FAC] =	sst s2  }
0xb: {  	[smem:$0x3FAD] =	sst s3  }
0xc: {  	[smem:$0x3FAE] =	sst s4  }
0xd: {  	[smem:$0x3FAF] =	sst s5  }
0xe: {  	[smem:$0x3FB0] =	sst s6  }
0xf: {  	[smem:$0x3FB1] =	sst s7  }
0x10: {  	[smem:$0x3FB2] =	sst s8  }
0x11: {  	[smem:$0x3FB3] =	sst s9;
	s0 =	simm.s32 @!p0 $0x0  }
0x12: {  	s1 =	sld [smem:$0x3F99];
	s0 =	simm.s32 @p0 $0x1  }
0x13: {  	[smem:$0x3FB4] =	sst s0;
	s0 =	simm.s32 @!p1 $0x0  }
0x14: {  	s2 =	sld [smem:$0x3F98];
	s0 =	simm.s32 @p1 $0x1  }
0x15: {  	[smem:$0x3FB5] =	sst s0;
	s0 =	simm.s32 @!p2 $0x0  }
0x16: {  	s3 =	sld [smem:$0x3FDB];
	s0 =	simm.s32 @p2 $0x1  }
0x17: {  	s4 =	simm.s32 $0x1BF5;
	[smem:$0x3FB7] =	sst s0  }
0x18: {  	s0 =	sld [smem:$0x3F9A];
	_ =	swait.ge [sflag:s4], $0x0  }
0x19: {  	s7 =	sld [smem:$0x3F9B]  }
0x1a: {  	s8 =	sadd.s32 $0xFFFFE003, lr  }
0x1b: {  	s9 =	sadd.s32 $0xFFFFFEF7, lr;
	s5 =	simm.s32 $0xFFFFFFFF;
	p2 =	slt.u32 s8, $0xFFFFF086  }
0x1c: {  	p1 =	slt.u32 s9, $0xF7A;
	s5 =	simm.s32 @!p2 $0x0  }
0x1d: {  	s5 =	simm.s32 @p1 $0x1;
	p0 =	seq.s32 s7, s2  }
0x1e: {  	s7 =	smul.u32 @!p0 $0xF7A, s2;
	p2 =	seq.s32 @!p0 s5, $0x0  }
0x1f: {  	s9 =	smul.u32 $0xF7A, s1;
	s8 =	simm.s32 @!p0 $0x1BF5;
	p2 =	por !p2, p0  }
0x20: {  	[sflag:s8] =	ssyncset.s32 @!p0 $0xFFFFF086;
	s6 =	sadd.s32 @!p0 s3, s7;
	s7 =	simm.s32 @!p0 $0x108  }
0x21: {  	s3 =	sadd.s32 s3, s9;
	s6 =	sadd.s32 @!p0 $0x88, s6;
	s7 =	simm.s32 @p2 $0x1082  }
0x22: {  	[simem:s7], [sflag:s8] =	dma.local @!p0 [hbm:s6], $0xF7A  }
0x23: {  	s9 =	sor.u32 $0xD0000000, s2;
	s6 =	simm.s32 $0x108;
	_ =	swait.ge @!p0 [sflag:s8], $0x0  }
0x24: {  	s3 =	sadd.s32 $0x88, s3;
	s6 =	simm.s32 @!p1 $0x1082;
	[sflag:s4] =	ssyncset.s32 $0xFFFFF086  }
0x25: {  	[simem:s6], [sflag:s4] =	dma.local [hbm:s3], $0xF7A  }
0x26: {  	[smem:$0x3F9B] =	sst s1;
	(tag) =	ssettag s2;
	_ =	strace s9  }
0x27: {  	s1 =	sld [smem:$0x3FAB]  }
0x28: {  	s2 =	sld [smem:$0x3FAC]  }
0x29: {  	s4 =	sld [smem:$0x3FAE]  }
0x2a: {  	p0 =	seq.s32 s5, $0x0;
	s5 =	sld [smem:$0x3FAF]  }
0x2b: {  	s6 =	sld [smem:$0x3FB0]  }
0x2c: {  	s7 =	sld [smem:$0x3FB1]  }
0x2d: {  	s3 =	simm.s32 $0x108;
	s8 =	sld [smem:$0x3FB2]  }
0x2e: {  	s3 =	simm.s32 @!p0 $0x1082;
	s9 =	sld [smem:$0x3FB3]  }
0x2f: {  	lr =	sadd.s32 s0, s3;
	s0 =	sld [smem:$0x3FAA]  }
0x30: {  	s3 =	sld [smem:$0x3FAD]  }
0x31: {  	[smem:$0x3FB6] =	sst s10  }
0x32: {  	s10 =	sld [smem:$0x3FB4];
	_ =	sdelay $0x3  }
0x33: {  	p0 =	seq.s32 s10, $0x1;
	s10 =	sld [smem:$0x3FB6];
	_ =	sdelay $0x3  }
0x34: {  	[smem:$0x3FB6] =	sst s10  }
0x35: {  	s10 =	sld [smem:$0x3FB5];
	_ =	sdelay $0x3  }
0x36: {  	p1 =	seq.s32 s10, $0x1;
	s10 =	sld [smem:$0x3FB6];
	_ =	sdelay $0x3  }
0x37: {  	[smem:$0x3FB6] =	sst s10  }
0x38: {  	s10 =	sld [smem:$0x3FB7]  }
0x39: {  	_ = 	snop;
	(pc) =	sbr.ind lr, $3  }
0x3a: {  	_ = 	snop  }
0x3b: {  	_ = 	snop  }
0x3c: {  	p2 =	seq.s32 s10, $0x1;
	s10 =	sld [smem:$0x3FB6]  }
0x3d: {  	_ =	shalt  }
0x3e: {  	_ =	shalt  }
0x3f: {  	_ =	shalt  }
0x40: {  	_ =	shalt  }
0x41: {  	_ =	shalt  }
0x42: {  	_ =	shalt  }
0x43: {  	_ =	shalt  }
0x44: {  	_ =	shalt  }
0x45: {  	_ =	shalt  }
0x46: {  	_ =	shalt  }
0x47: {  	_ =	shalt  }
0x48: {  	_ =	shalt  }
0x49: {  	_ =	shalt  }
0x4a: {  	_ =	shalt  }
0x4b: {  	_ =	shalt  }
0x4c: {  	_ =	shalt  }
0x4d: {  	_ =	shalt  }
0x4e: {  	_ =	shalt  }
0x4f: {  	_ =	shalt  }
0x50: {  	_ =	shalt  }
0x51: {  	_ =	shalt  }
0x52: {  	_ =	shalt  }
0x53: {  	_ =	shalt  }
0x54: {  	_ =	shalt  }
0x55: {  	_ =	shalt  }
0x56: {  	_ =	shalt  }
0x57: {  	_ =	shalt  }
0x58: {  	_ =	shalt  }
0x59: {  	_ =	shalt  }
0x5a: {  	_ =	shalt  }
0x5b: {  	_ =	shalt  }
0x5c: {  	_ =	shalt  }
0x5d: {  	_ =	shalt  }
0x5e: {  	_ =	shalt  }
0x5f: {  	_ =	shalt  }
0x60: {  	_ =	shalt  }
0x61: {  	_ =	shalt  }
0x62: {  	_ =	shalt  }
0x63: {  	_ =	shalt  }
0x64: {  	_ =	shalt  }
0x65: {  	_ =	shalt  }
0x66: {  	_ =	shalt  }
0x67: {  	_ =	shalt  }
0x68: {  	_ =	shalt  }
0x69: {  	_ =	shalt  }
0x6a: {  	_ =	shalt  }
0x6b: {  	_ =	shalt  }
0x6c: {  	_ =	shalt  }
0x6d: {  	_ =	shalt  }
0x6e: {  	_ =	shalt  }
0x6f: {  	_ =	shalt  }
0x70: {  	_ =	shalt  }
0x71: {  	_ =	shalt  }
0x72: {  	_ =	shalt  }
0x73: {  	_ =	shalt  }
0x74: {  	_ =	shalt  }
0x75: {  	_ =	shalt  }
0x76: {  	_ =	shalt  }
0x77: {  	_ =	shalt  }
0x78: {  	_ =	shalt  }
0x79: {  	_ =	shalt  }
0x7a: {  	_ =	shalt  }
0x7b: {  	_ =	shalt  }
0x7c: {  	_ =	shalt  }
0x7d: {  	_ =	shalt  }
0x7e: {  	_ =	shalt  }
0x7f: {  	_ =	shalt  }
0x80: {  	_ =	shalt  }
0x81: {  	_ =	shalt  }
0x82: {  	_ =	shalt  }
0x83: {  	_ =	shalt  }
0x84: {  	_ =	shalt  }
0x85: {  	_ =	shalt  }
0x86: {  	_ =	shalt  }
0x87: {  	_ =	shalt  }
.Lfunc_end0:
.L_simem_size_0:
called_computation.2_lowered:
.L_overlay_start_0:
0x88: {  	s2 =	sld [smem:$0x3FD9]  }
0x89: {  	s3 =	sld [smem:$0x3FFE];
	_ =	sdelay $0x1  }
0x8a: {  	s1 =	srdreg.scid  }
0x8b: {  	s0 =	sand.u32 $0x1, s1  }
0x8c: {  	s17 =	sshll.u32 s0, $0xA;
	s2 =	sadd.s32 s3, s2  }
0x8d: {  	s2 =	sadd.s32 s2, s17  }
0x8e: {  	[smem:$0x3FC2] =	sst s2  }
0x8f: {  	_ = 	snop  }
0x90: {  	s2 =	sld [smem:$0x3FD0];
	(tm) =	ssettm $0x1  }
0x91: {  	s18 =	sld [smem:$0x3FFB];
	_ =	sdelay $0x3  }
0x92: {  	_ =	strace s18  }
0x93: {  	s3 =	sld [smem:$0x3FFC];
	_ =	sdelay $0x3  }
0x94: {  	_ =	strace s3  }
0x95: {  	s3 =	sld [smem:$0x3FFD];
	_ =	sdelay $0x3  }
0x96: {  	_ =	strace s3  }
0x97: {  	_ =	strace $0x8FFFFFFF  }
0x98: {  	s19 =	sld [smem:$0x3FDB];
	_ =	sdelay $0x1  }
0x99: {  	s4 =	simm.s32 $_scs_section_size  }
0x9a: {  	s5 =	simm.s32 $_size__tile_overlayer_lowered;
	s6 =	simm.s32 $_tile_overlayer_lowered  }
0x9b: {  	s22 =	simm.s32 $0x1BFF;
	s21 =	sshll.u32 s6, $0x1;
	s3 =	sadd.s32 s4, s19  }
0x9c: {  	s7 =	simm.s32 $0x0;
	s20 =	sshll.u32 s5, $0x1;
	s5 =	sadd.s32 s21, s3  }
0x9d: {  	[timem:s7], [sflag:s22] =	dma.local [hbm:s5], s20  }
0x9e: {  	_ =	swait.ge [sflag:s22], s20  }
0x9f: {  	s4 =	ssub.s32 $0x0, s20;
	[sflag:s22] =	ssyncset.done $0x0  }
0xa0: {  	[sflag:s22] =	ssyncadd.s32 s4;
	_ =	sdelay $0x1  }
0xa1: {  	s23 =	simm.s32 $0x1B8B  }
0xa2: {  	_ =	swait.ge [sflag:s23], $0x1  }
0xa3: {  	[sflag:s23] =	ssyncset.done $0x0  }
0xa4: {  	s25 =	simm.s32 $0x1B8E;
	s24 =	sld [smem:$0x3FFE];
	[sflag:s23] =	ssyncadd.s32 $0xFFFFFFFF  }
0xa5: {  	s26 =	simm.s32 $execute0_lowered;
	[smem:$0x3FD2] =	sst s25  }
0xa6: {  	s5 =	sshll.u32 s26, $0x1;
	_ =	strace $0x8000004C;
	[dreg:$0x1] =	wrdreg $0xFFFFFFFF  }
0xa7: {  	s28 =	simm.s32 $_size_execute0_lowered;
	s3 =	sadd.s32 s3, s5;
	[dreg:$0x0] =	wrdreg $0x0  }
0xa8: {  	s5 =	sshll.u32 s28, $0x1;
	[dreg:$0x2] =	wrdreg s3  }
0xa9: {  	[dreg:$0x3] =	wrdreg s5  }
0xaa: {  	[dreg:$0x4] =	wrdreg $0xC0  }
0xab: {  	_ =	task [dreg:s7], $0x5FFFF  }
0xac: {  	[dreg:$0x1] =	wrdreg $0xFFFFFFFF  }
0xad: {  	[dreg:$0x0] =	wrdreg $0x60  }
0xae: {  	[dreg:$0x2] =	wrdreg s24  }
0xaf: {  	[dreg:$0x3] =	wrdreg s2  }
0xb0: {  	[dreg:$0x4] =	wrdreg $0x82000  }
0xb1: {  	[dreg:$0x5] =	wrdreg $0x9  }
0xb2: {  	_ =	task.clear_ibuf [dreg:s7], $0x6FFFF;
	_ =	strace $0x9000004C  }
0xb3: {  	s29 =	simm.s32 $0x9;
	_ =	strace $0x8000004E  }
0xb4: {  	_ =	swait.ge [sflag:s29], $0x1  }
0xb5: {  	[sflag:s29] =	ssyncadd.s32 $0xFFFFFFFF  }
0xb6: {  	_ =	strace $0x9000004E  }
0xb7: {  	_ =	sfence  }
0xb8: {  	s30 =	sld [smem:$0x0];
	_ =	sdelay $0x2  }
0xb9: {  	s31 =	sshll.u32 s1, $0xD;
	s1 =	sshrl.u32 s1, $0x2  }
0xba: {  	s3 =	sand.u32 $0x4000, s31;
	s1 =	sadd.s32 s1, s30  }
0xbb: {  	s0 =	sor.u32 s3, s0;
	s1 =	sshll.u32 s1, $0x11  }
0xbc: {  	s0 =	sor.u32 s1, s0  }
0xbd: {  	s0 =	sadd.s32 $0x8F2B, s0  }
0xbe: {  	[sflag:s0] =	ssyncadd.remote.s32 $0x1  }
0xbf: {  	_ =	sfence.sel $0xFFFF  }
0xc0: {  	[dreg:$0x0] =	wrdreg $0xFFFFFFFF;
	(pc) =	sbr.abs _section_cstart, $3  }
0xc1: {  	[dreg:$0x1] =	wrdreg $0xFFFFFFFF  }
0xc2: {  	_ =	task.clear_ibuf [dreg:s7], $0x2FFFF;
	_ =	strace $0x9FFFFFFF  }
0xc3: {  	(tm) =	ssettm $0x7FFFFFFF  }
tec
execute0_lowered:
.L_overlay_start_1:
0x0: {  	(tag) =	ssettag $0x1  }
0x1: {  	s13 =	rddreg [dreg:$0x0]  }
0x2: {  	s1 =	rddreg [dreg:$0x1]  }
0x3: {  	s2 =	rddreg [dreg:$0x2];
	s4 =	simm.s32 $0x0;
	s5 =	srdreg.scid  }
0x4: {  	s3 =	stileid.u32;
	s22 =	simm.s32 $0x180;
	s23 =	simm.s32 $0x4200  }
0x5: {  	s24 =	simm.s32 $0x3;
	s25 =	simm.s32 $0x5;
	s26 =	simm.s32 $0x4  }
0x6: {  	s28 =	simm.s32 $0x0;
	[smem:$0x7FF] =	sst s4;
	s14 =	sadd.s32 $0xEC00, s13  }
0x7: {  	s12 =	sand.u32 $0x1, s5;
	s31 =	sshll.u32 s3, $0x4;
	s9 =	smul.u32 $0x4F000, s3  }
0x8: {  	s15 =	sadd.s32 $0x4C00, s13;
	s5 =	sadd.s32 $0x68C00, s13;
	s21 =	smul.u32 $0x2780, s3  }
0x9: {  	_ =	strace $0x8000004D;
	s16 =	sshll.u32 s12, $0x8;
	s17 =	sand.u32 $0x80, s31  }
0xa: {  	s6 =	ssub.s32 $0x2, s12;
	s18 =	sand.u32 $0x70, s31;
	p0 =	seq.s32 s12, $0x1  }
0xb: {  	s7 =	sor.u32 s17, s16;
	s8 =	sshrl.u32 s6, $0x1;
	s9 =	sshrl.u32 s9, $0x2  }
0xc: {  	s10 =	sor.u32 s18, s7;
	s19 =	ssub.s32 s6, s8;
	s8 =	sshll.u32 s3, $0x6  }
0xd: {  	s20 =	sadd.s32 s9, s2;
	s6 =	sadd.s32 s14, s10;
	s7 =	sadd.s32 s15, s10  }
0xe: {  	s9 =	sor.u32 $0x1C02, s8;
	s11 =	sor.u32 $0x200, s10;
	s12 =	smax.u32 s19, $0x1  }
0xf: {  	s19 =	simm.s32 $0xB7C00;
	s10 =	sadd.s32 s14, s11;
	s11 =	sadd.s32 s15, s11  }
0x10: {  	s19 =	simm.s32 @!p0 $0x90400;
	s14 =	sadd.s32 s16, s14;
	s15 =	sadd.s32 s16, s15  }
0x11: {  	s16 =	simm.s32 $0x100;
	s13 =	sadd.s32 s19, s13;
	s14 =	sadd.s32 s17, s14  }
0x12: {  	s15 =	sadd.s32 s17, s15;
	s17 =	sshrl.u32 s20, $0x3;
	s19 =	simm.s32 $0x1  }
0x13: {  	s20 =	simm.s32 $0x80;
	s13 =	sadd.s32 s13, s21;
	s14 =	sadd.s32 s18, s14  }
0x14: {  	s15 =	sadd.s32 s18, s15;
	s18 =	simm.s32 $0x2;
	s21 =	simm.s32 $0x200  }
.LBB2_1:
0x15: {  	[tilespmem:s4], [sflag:$0x1] =	stream.linear.gather [hbm4b:s6+s4], $0x80, $0x38;
	[tilespmem:$0x1BE00] =	vst v63  }
0x16: {  	_ = 	snop  }
0x17: {  	[tilespmem:s16], [sflag:$0x1] =	stream.linear.gather [hbm4b:s7+s4], $0x80, $0x38;
	[tilespmem:$0x1BE00] =	vst v63  }
0x18: {  	[spmem:s17], [sflag:s9] =	dma.local [hbm:s1], $0x2780  }
0x19: {  	_ =	swait.ge [sflag:s18], $0x2780  }
0x1a: {  	[sflag:s18] =	ssyncset.done $0x0  }
0x1b: {  	[sflag:s18] =	ssyncadd.s32 $0xFFFFD880  }
0x1c: {  	[bflag:$0x0] =	sbarrier.arrive $0xFFFF  }
0x1d: {  	_ =	swait.ge [sflag:s19], $0x80  }
0x1e: {  	[sflag:s19] =	ssyncset.done $0x0  }
0x1f: {  	[sflag:s19] =	ssyncadd.s32 $0xFFFFFF80  }
0x20: {  	_ =	swait.ge [sflag:s19], $0x80  }
0x21: {  	[sflag:s19] =	ssyncset.done $0x0  }
0x22: {  	[sflag:s19] =	ssyncadd.s32 $0xFFFFFF80  }
0x23: {  	[tilespmem:s21], [sflag:$0x3] =	stream.indirect.gather [hbm4b:s5+s20], $0x80, s4, s20, $0xb8;
	[tilespmem:$0x1BE00] =	vst v63  }
0x24: {  	_ = 	snop  }
0x25: {  	[tilespmem:s20], [sflag:$0x2] =	stream.linear.gather [hbm4b:s10+s4], $0x80, $0x38;
	[tilespmem:$0x1BE00] =	vst v63  }
0x26: {  	_ = 	snop  }
0x27: {  	[tilespmem:s22], [sflag:$0x2] =	stream.linear.gather [hbm4b:s11+s4], $0x80, $0x38;
	[tilespmem:$0x1BE00] =	vst v63  }
0x28: {  	_ =	swait.ge [sflag:s18], $0x80  }
0x29: {  	[sflag:s18] =	ssyncset.done $0x0  }
0x2a: {  	[sflag:s18] =	ssyncadd.s32 $0xFFFFFF80  }
0x2b: {  	_ =	swait.ge [sflag:s18], $0x80  }
0x2c: {  	[sflag:s18] =	ssyncset.done $0x0  }
0x2d: {  	[sflag:s18] =	ssyncadd.s32 $0xFFFFFF80  }
0x2e: {  	[tilespmem:s23], [sflag:$0x4] =	stream.indirect.gather [hbm4b:s5+s20], $0x80, s20, s20, $0xb8;
	[tilespmem:$0x1BE00] =	vst v63  }
0x2f: {  	_ =	swait.ge [sflag:s24], $0x4000  }
0x30: {  	[sflag:s24] =	ssyncset.done $0x0  }
0x31: {  	[sflag:s24] =	ssyncadd.s32 $0xFFFFC000  }
0x32: {  	[spmem:s2] =	stream.indirect.scatter.add.f32 [tilespmem:s21], [sflag:$0x5], $0x80, s16, s20, $0xb8;
	[tilespmem:$0x1BE00] =	vst v63  }
0x33: {  	_ =	swait.ge [sflag:s25], $0x4000  }
0x34: {  	s29 =	sadd.s32 $0x0, s14;
	[sflag:s25] =	ssyncset.done $0x0  }
0x35: {  	s31 =	sadd.s32 $0x0, s15;
	s30 =	sadd.s32 $0x400, s29;
	[sflag:s25] =	ssyncadd.s32 $0xFFFFC000  }
0x36: {  	[tilespmem:s4], [sflag:$0x1] =	stream.linear.gather [hbm4b:s30+s4], $0x80, $0x38;
	[tilespmem:$0x1BE00] =	vst v63  }
0x37: {  	s30 =	sadd.s32 $0x400, s31  }
0x38: {  	[tilespmem:s16], [sflag:$0x1] =	stream.linear.gather [hbm4b:s30+s4], $0x80, $0x38;
	[tilespmem:$0x1BE00] =	vst v63  }
0x39: {  	_ =	swait.ge [sflag:s19], $0x80  }
0x3a: {  	[sflag:s19] =	ssyncset.done $0x0  }
0x3b: {  	[sflag:s19] =	ssyncadd.s32 $0xFFFFFF80  }
0x3c: {  	_ =	swait.ge [sflag:s19], $0x80  }
0x3d: {  	[sflag:s19] =	ssyncset.done $0x0  }
0x3e: {  	[sflag:s19] =	ssyncadd.s32 $0xFFFFFF80  }
0x3f: {  	[tilespmem:s21], [sflag:$0x3] =	stream.indirect.gather [hbm4b:s5+s20], $0x80, s4, s20, $0xb8;
	[tilespmem:$0x1BE00] =	vst v63  }
0x40: {  	_ =	swait.ge [sflag:s26], $0x4000  }
0x41: {  	[sflag:s26] =	ssyncset.done $0x0  }
0x42: {  	[sflag:s26] =	ssyncadd.s32 $0xFFFFC000  }
0x43: {  	[spmem:s2] =	stream.indirect.scatter.add.f32 [tilespmem:s23], [sflag:$0x5], $0x80, s22, s20, $0xb8;
	[tilespmem:$0x1BE00] =	vst v63  }
0x44: {  	_ =	swait.ge [sflag:s25], $0x4000  }
0x45: {  	[sflag:s25] =	ssyncset.done $0x0  }
0x46: {  	s29 =	sadd.s32 $0x600, s29;
	[sflag:s25] =	ssyncadd.s32 $0xFFFFC000  }
0x47: {  	[tilespmem:s20], [sflag:$0x2] =	stream.linear.gather [hbm4b:s29+s4], $0x80, $0x38;
	[tilespmem:$0x1BE00] =	vst v63  }
0x48: {  	s30 =	sadd.s32 $0x600, s31;
	s29 =	simm.s32 $0x400  }
.LBB2_2:
0x49: {  	[tilespmem:s22], [sflag:$0x2] =	stream.linear.gather [hbm4b:s30+s4], $0x80, $0x38;
	[tilespmem:$0x1BE00] =	vst v63  }
0x4a: {  	s30 =	smov.u32 s29  }
0x4b: {  	p0 =	sne.s32 s29, $0x9800;
	s29 =	sadd.s32 $0x400, s29;
	_ =	swait.ge [sflag:s18], $0x80  }
0x4c: {  	[sflag:s18] =	ssyncset.done $0x0  }
0x4d: {  	[sflag:s18] =	ssyncadd.s32 $0xFFFFFF80  }
0x4e: {  	_ =	swait.ge [sflag:s18], $0x80  }
0x4f: {  	[sflag:s18] =	ssyncset.done $0x0  }
0x50: {  	[sflag:s18] =	ssyncadd.s32 $0xFFFFFF80  }
0x51: {  	[tilespmem:s23], [sflag:$0x4] =	stream.indirect.gather [hbm4b:s5+s20], $0x80, s20, s20, $0xb8;
	[tilespmem:$0x1BE00] =	vst v63  }
0x52: {  	_ =	swait.ge [sflag:s24], $0x4000  }
0x53: {  	[sflag:s24] =	ssyncset.done $0x0  }
0x54: {  	[sflag:s24] =	ssyncadd.s32 $0xFFFFC000  }
0x55: {  	[spmem:s2] =	stream.indirect.scatter.add.f32 [tilespmem:s21], [sflag:$0x5], $0x80, s16, s20, $0xb8;
	[tilespmem:$0x1BE00] =	vst v63  }
0x56: {  	_ =	swait.ge [sflag:s25], $0x4000  }
0x57: {  	s31 =	sadd.s32 s30, s14;
	[sflag:s25] =	ssyncset.done $0x0  }
0x58: {  	s30 =	sadd.s32 s30, s15;
	s0 =	sadd.s32 $0x400, s31;
	[sflag:s25] =	ssyncadd.s32 $0xFFFFC000  }
0x59: {  	[tilespmem:s4], [sflag:$0x1] =	stream.linear.gather [hbm4b:s0+s4], $0x80, $0x38;
	[tilespmem:$0x1BE00] =	vst v63  }
0x5a: {  	s0 =	sadd.s32 $0x400, s30  }
0x5b: {  	[tilespmem:s16], [sflag:$0x1] =	stream.linear.gather [hbm4b:s0+s4], $0x80, $0x38;
	[tilespmem:$0x1BE00] =	vst v63  }
0x5c: {  	_ =	swait.ge [sflag:s19], $0x80  }
0x5d: {  	[sflag:s19] =	ssyncset.done $0x0  }
0x5e: {  	[sflag:s19] =	ssyncadd.s32 $0xFFFFFF80  }
0x5f: {  	_ =	swait.ge [sflag:s19], $0x80  }
0x60: {  	[sflag:s19] =	ssyncset.done $0x0  }
0x61: {  	[sflag:s19] =	ssyncadd.s32 $0xFFFFFF80  }
0x62: {  	[tilespmem:s21], [sflag:$0x3] =	stream.indirect.gather [hbm4b:s5+s20], $0x80, s4, s20, $0xb8;
	[tilespmem:$0x1BE00] =	vst v63  }
0x63: {  	_ =	swait.ge [sflag:s26], $0x4000  }
0x64: {  	[sflag:s26] =	ssyncset.done $0x0  }
0x65: {  	[sflag:s26] =	ssyncadd.s32 $0xFFFFC000  }
0x66: {  	[spmem:s2] =	stream.indirect.scatter.add.f32 [tilespmem:s23], [sflag:$0x5], $0x80, s22, s20, $0xb8;
	[tilespmem:$0x1BE00] =	vst v63  }
.Ltmp0:
0x67: {  	_ =	swait.ge [sflag:s25], $0x4000;
	(pc) =	sbr.rel @p0 .LBB2_2-.Ltmp0, $4  }
0x68: {  	[sflag:s25] =	ssyncset.done $0x0  }
0x69: {  	s0 =	sadd.s32 $0x600, s31;
	[sflag:s25] =	ssyncadd.s32 $0xFFFFC000  }
0x6a: {  	[tilespmem:s20], [sflag:$0x2] =	stream.linear.gather [hbm4b:s0+s4], $0x80, $0x38;
	[tilespmem:$0x1BE00] =	vst v63  }
0x6b: {  	s30 =	sadd.s32 $0x600, s30  }
0x6c: {  	[tilespmem:s22], [sflag:$0x2] =	stream.linear.gather [hbm4b:s30+s4], $0x80, $0x38;
	[tilespmem:$0x1BE00] =	vst v63  }
0x6d: {  	_ =	swait.ge [sflag:s18], $0x80  }
0x6e: {  	[sflag:s18] =	ssyncset.done $0x0  }
0x6f: {  	[sflag:s18] =	ssyncadd.s32 $0xFFFFFF80  }
0x70: {  	_ =	swait.ge [sflag:s18], $0x80  }
0x71: {  	[sflag:s18] =	ssyncset.done $0x0  }
0x72: {  	[sflag:s18] =	ssyncadd.s32 $0xFFFFFF80  }
0x73: {  	[tilespmem:s23], [sflag:$0x4] =	stream.indirect.gather [hbm4b:s5+s20], $0x80, s20, s20, $0xb8;
	[tilespmem:$0x1BE00] =	vst v63  }
0x74: {  	_ =	swait.ge [sflag:s24], $0x4000  }
0x75: {  	[sflag:s24] =	ssyncset.done $0x0  }
0x76: {  	[sflag:s24] =	ssyncadd.s32 $0xFFFFC000  }
0x77: {  	[spmem:s2] =	stream.indirect.scatter.add.f32 [tilespmem:s21], [sflag:$0x5], $0x80, s16, s20, $0xb8;
	[tilespmem:$0x1BE00] =	vst v63  }
0x78: {  	_ =	swait.ge [sflag:s25], $0x4000  }
0x79: {  	[sflag:s25] =	ssyncset.done $0x0  }
0x7a: {  	[sflag:s25] =	ssyncadd.s32 $0xFFFFC000  }
0x7b: {  	_ =	swait.ge [sflag:s26], $0x4000  }
0x7c: {  	[sflag:s26] =	ssyncset.done $0x0  }
0x7d: {  	[sflag:s26] =	ssyncadd.s32 $0xFFFFC000  }
0x7e: {  	[spmem:s2] =	stream.indirect.scatter.add.f32 [tilespmem:s23], [sflag:$0x5], $0x80, s22, s20, $0xb8;
	[tilespmem:$0x1BE00] =	vst v63  }
0x7f: {  	_ =	swait.ge [sflag:s25], $0x4000  }
0x80: {  	s28 =	sadd.s32 $0x1, s28;
	[sflag:s25] =	ssyncset.done $0x0  }
0x81: {  	p0 =	sne.s32 s28, s12;
	[sflag:s25] =	ssyncadd.s32 $0xFFFFC000  }
.Ltmp1:
0x82: {  	s0 =	sor.u32 $0x1C05, s8;
	[bflag:$0x0] =	sbarrier.arrive $0xFFFF;
	(pc) =	sbr.rel @p0 .LBB2_1-.Ltmp1, $4  }
0x83: {  	[hbm:s13], [sflag:s0] =	dma.local [spmem:s17], $0x2780  }
0x84: {  	_ =	swait.ge [sflag:s25], $0x2780  }
0x85: {  	[sflag:s25] =	ssyncset.done $0x0  }
0x86: {  	[sflag:s25] =	ssyncadd.s32 $0xFFFFD880  }
0x87: {  	_ =	sfence.sel $0x180000  }
0x88: {  	[bflag:$0x0] =	sbarrier.arrive $0xFFFF  }
0x89: {  	_ =	strace $0x9000004D  }
0x8a: {  	[bflag:$0x2] =	sbarrier.arrive $0xFFFF  }
0x8b: {  	p0 =	sne.s32 s3, $0x0;
	s0 =	rddreg [dreg:$0x3]  }
0x8c: {  	s0 =	sadd.s32 @!p0 $0x100000, s0  }
0x8d: {  	[sflag:s0] =	ssyncadd.tile.s32 @!p0 $0x1;
	_ =	shalt  }
.Lfunc_end2:
_tile_overlayer_lowered:
.L_overlay_start_2:
0x8e: {  	(tag) =	ssettag $0x2  }
0x8f: {  	s0 =	rddreg [dreg:$0x0];
	s2 =	stileid.u32  }
0x90: {  	s1 =	rddreg [dreg:$0x1];
	p0 =	sne.s32 s2, $0x0  }
0x91: {  	s3 =	rddreg [dreg:$0x2];
	[bflag:$0x3] =	sbarrier.arrive $0xFFFF;
	s2 =	simm.s32 @!p0 $0x1C05  }
0x92: {  	[timem:s3], [sflag:s2] =	dma.local @!p0 [hbm:s0], s1  }
0x93: {  	s0 =	simm.s32 @!p0 $0x5  }
0x94: {  	_ =	swait.ge @!p0 [sflag:s0], s1  }
0x95: {  	s1 =	ssub.s32 @!p0 $0x0, s1;
	[sflag:s0] =	ssyncset.done @!p0 $0x0  }
0x96: {  	[sflag:s0] =	ssyncadd.s32 @!p0 s1  }
0x97: {  	[bflag:$0x3] =	sbarrier.arrive $0xFFFF  }
0x98: {  	_ =	shalt  }

// kernel: kernel.8.cloned.1.call-start
scs
__scs_entry_jumppad:
0x0: {  	(pc) =	sbr.rel $0x88, $3  }
0x1: {  	(tag) =	ssettag $0x0;
	lr =	simm.s32 $0x1  }
0x2: {  	[smem:$0x3F9B] =	sst lr;
	_ =	strace $0xD0000000  }
0x3: {  	_ = 	snop  }
0x4: {  	_ = 	snop  }
0x5: {  	_ = 	snop  }
0x6: {  	_ = 	snop  }
0x7: {  	_ = 	snop  }
__scs_overlays_trampoline_lowered:
0x8: {  	[smem:$0x3FAA] =	sst s0  }
0x9: {  	[smem:$0x3FAB] =	sst s1  }
0xa: {  	[smem:$0x3FAC] =	sst s2  }
0xb: {  	[smem:$0x3FAD] =	sst s3  }
0xc: {  	[smem:$0x3FAE] =	sst s4  }
0xd: {  	[smem:$0x3FAF] =	sst s5  }
0xe: {  	[smem:$0x3FB0] =	sst s6  }
0xf: {  	[smem:$0x3FB1] =	sst s7  }
0x10: {  	[smem:$0x3FB2] =	sst s8  }
0x11: {  	[smem:$0x3FB3] =	sst s9;
	s0 =	simm.s32 @!p0 $0x0  }
0x12: {  	s1 =	sld [smem:$0x3F99];
	s0 =	simm.s32 @p0 $0x1  }
0x13: {  	[smem:$0x3FB4] =	sst s0;
	s0 =	simm.s32 @!p1 $0x0  }
0x14: {  	s2 =	sld [smem:$0x3F98];
	s0 =	simm.s32 @p1 $0x1  }
0x15: {  	[smem:$0x3FB5] =	sst s0;
	s0 =	simm.s32 @!p2 $0x0  }
0x16: {  	s3 =	sld [smem:$0x3FDB];
	s0 =	simm.s32 @p2 $0x1  }
0x17: {  	s4 =	simm.s32 $0x1BF5;
	[smem:$0x3FB7] =	sst s0  }
0x18: {  	s0 =	sld [smem:$0x3F9A];
	_ =	swait.ge [sflag:s4], $0x0  }
0x19: {  	s7 =	sld [smem:$0x3F9B]  }
0x1a: {  	s8 =	sadd.s32 $0xFFFFE003, lr  }
0x1b: {  	s9 =	sadd.s32 $0xFFFFFEF7, lr;
	s5 =	simm.s32 $0xFFFFFFFF;
	p2 =	slt.u32 s8, $0xFFFFF086  }
0x1c: {  	p1 =	slt.u32 s9, $0xF7A;
	s5 =	simm.s32 @!p2 $0x0  }
0x1d: {  	s5 =	simm.s32 @p1 $0x1;
	p0 =	seq.s32 s7, s2  }
0x1e: {  	s7 =	smul.u32 @!p0 $0xF7A, s2;
	p2 =	seq.s32 @!p0 s5, $0x0  }
0x1f: {  	s9 =	smul.u32 $0xF7A, s1;
	s8 =	simm.s32 @!p0 $0x1BF5;
	p2 =	por !p2, p0  }
0x20: {  	[sflag:s8] =	ssyncset.s32 @!p0 $0xFFFFF086;
	s6 =	sadd.s32 @!p0 s3, s7;
	s7 =	simm.s32 @!p0 $0x108  }
0x21: {  	s3 =	sadd.s32 s3, s9;
	s6 =	sadd.s32 @!p0 $0x88, s6;
	s7 =	simm.s32 @p2 $0x1082  }
0x22: {  	[simem:s7], [sflag:s8] =	dma.local @!p0 [hbm:s6], $0xF7A  }
0x23: {  	s9 =	sor.u32 $0xD0000000, s2;
	s6 =	simm.s32 $0x108;
	_ =	swait.ge @!p0 [sflag:s8], $0x0  }
0x24: {  	s3 =	sadd.s32 $0x88, s3;
	s6 =	simm.s32 @!p1 $0x1082;
	[sflag:s4] =	ssyncset.s32 $0xFFFFF086  }
0x25: {  	[simem:s6], [sflag:s4] =	dma.local [hbm:s3], $0xF7A  }
0x26: {  	[smem:$0x3F9B] =	sst s1;
	(tag) =	ssettag s2;
	_ =	strace s9  }
0x27: {  	s1 =	sld [smem:$0x3FAB]  }
0x28: {  	s2 =	sld [smem:$0x3FAC]  }
0x29: {  	s4 =	sld [smem:$0x3FAE]  }
0x2a: {  	p0 =	seq.s32 s5, $0x0;
	s5 =	sld [smem:$0x3FAF]  }
0x2b: {  	s6 =	sld [smem:$0x3FB0]  }
0x2c: {  	s7 =	sld [smem:$0x3FB1]  }
0x2d: {  	s3 =	simm.s32 $0x108;
	s8 =	sld [smem:$0x3FB2]  }
0x2e: {  	s3 =	simm.s32 @!p0 $0x1082;
	s9 =	sld [smem:$0x3FB3]  }
0x2f: {  	lr =	sadd.s32 s0, s3;
	s0 =	sld [smem:$0x3FAA]  }
0x30: {  	s3 =	sld [smem:$0x3FAD]  }
0x31: {  	[smem:$0x3FB6] =	sst s10  }
0x32: {  	s10 =	sld [smem:$0x3FB4];
	_ =	sdelay $0x3  }
0x33: {  	p0 =	seq.s32 s10, $0x1;
	s10 =	sld [smem:$0x3FB6];
	_ =	sdelay $0x3  }
0x34: {  	[smem:$0x3FB6] =	sst s10  }
0x35: {  	s10 =	sld [smem:$0x3FB5];
	_ =	sdelay $0x3  }
0x36: {  	p1 =	seq.s32 s10, $0x1;
	s10 =	sld [smem:$0x3FB6];
	_ =	sdelay $0x3  }
0x37: {  	[smem:$0x3FB6] =	sst s10  }
0x38: {  	s10 =	sld [smem:$0x3FB7]  }
0x39: {  	_ = 	snop;
	(pc) =	sbr.ind lr, $3  }
0x3a: {  	_ = 	snop  }
0x3b: {  	_ = 	snop  }
0x3c: {  	p2 =	seq.s32 s10, $0x1;
	s10 =	sld [smem:$0x3FB6]  }
0x3d: {  	_ =	shalt  }
0x3e: {  	_ =	shalt  }
0x3f: {  	_ =	shalt  }
0x40: {  	_ =	shalt  }
0x41: {  	_ =	shalt  }
0x42: {  	_ =	shalt  }
0x43: {  	_ =	shalt  }
0x44: {  	_ =	shalt  }
0x45: {  	_ =	shalt  }
0x46: {  	_ =	shalt  }
0x47: {  	_ =	shalt  }
0x48: {  	_ =	shalt  }
0x49: {  	_ =	shalt  }
0x4a: {  	_ =	shalt  }
0x4b: {  	_ =	shalt  }
0x4c: {  	_ =	shalt  }
0x4d: {  	_ =	shalt  }
0x4e: {  	_ =	shalt  }
0x4f: {  	_ =	shalt  }
0x50: {  	_ =	shalt  }
0x51: {  	_ =	shalt  }
0x52: {  	_ =	shalt  }
0x53: {  	_ =	shalt  }
0x54: {  	_ =	shalt  }
0x55: {  	_ =	shalt  }
0x56: {  	_ =	shalt  }
0x57: {  	_ =	shalt  }
0x58: {  	_ =	shalt  }
0x59: {  	_ =	shalt  }
0x5a: {  	_ =	shalt  }
0x5b: {  	_ =	shalt  }
0x5c: {  	_ =	shalt  }
0x5d: {  	_ =	shalt  }
0x5e: {  	_ =	shalt  }
0x5f: {  	_ =	shalt  }
0x60: {  	_ =	shalt  }
0x61: {  	_ =	shalt  }
0x62: {  	_ =	shalt  }
0x63: {  	_ =	shalt  }
0x64: {  	_ =	shalt  }
0x65: {  	_ =	shalt  }
0x66: {  	_ =	shalt  }
0x67: {  	_ =	shalt  }
0x68: {  	_ =	shalt  }
0x69: {  	_ =	shalt  }
0x6a: {  	_ =	shalt  }
0x6b: {  	_ =	shalt  }
0x6c: {  	_ =	shalt  }
0x6d: {  	_ =	shalt  }
0x6e: {  	_ =	shalt  }
0x6f: {  	_ =	shalt  }
0x70: {  	_ =	shalt  }
0x71: {  	_ =	shalt  }
0x72: {  	_ =	shalt  }
0x73: {  	_ =	shalt  }
0x74: {  	_ =	shalt  }
0x75: {  	_ =	shalt  }
0x76: {  	_ =	shalt  }
0x77: {  	_ =	shalt  }
0x78: {  	_ =	shalt  }
0x79: {  	_ =	shalt  }
0x7a: {  	_ =	shalt  }
0x7b: {  	_ =	shalt  }
0x7c: {  	_ =	shalt  }
0x7d: {  	_ =	shalt  }
0x7e: {  	_ =	shalt  }
0x7f: {  	_ =	shalt  }
0x80: {  	_ =	shalt  }
0x81: {  	_ =	shalt  }
0x82: {  	_ =	shalt  }
0x83: {  	_ =	shalt  }
0x84: {  	_ =	shalt  }
0x85: {  	_ =	shalt  }
0x86: {  	_ =	shalt  }
0x87: {  	_ =	shalt  }
.Lfunc_end0:
.L_simem_size_0:
called_computation_lowered:
.L_overlay_start_0:
0x88: {  	s2 =	sld [smem:$0x3FD9]  }
0x89: {  	s3 =	sld [smem:$0x3FFE];
	_ =	sdelay $0x1  }
0x8a: {  	s1 =	srdreg.scid  }
0x8b: {  	s0 =	sand.u32 $0x1, s1  }
0x8c: {  	s17 =	sshll.u32 s0, $0xA;
	s2 =	sadd.s32 s3, s2  }
0x8d: {  	s2 =	sadd.s32 s2, s17  }
0x8e: {  	[smem:$0x3FC2] =	sst s2  }
0x8f: {  	_ = 	snop  }
0x90: {  	s2 =	sld [smem:$0x3FD0];
	(tm) =	ssettm $0x1  }
0x91: {  	s18 =	sld [smem:$0x3FFB];
	_ =	sdelay $0x3  }
0x92: {  	_ =	strace s18  }
0x93: {  	s3 =	sld [smem:$0x3FFC];
	_ =	sdelay $0x3  }
0x94: {  	_ =	strace s3  }
0x95: {  	s3 =	sld [smem:$0x3FFD];
	_ =	sdelay $0x3  }
0x96: {  	_ =	strace s3  }
0x97: {  	_ =	strace $0x8FFFFFFF  }
0x98: {  	s19 =	sld [smem:$0x3FDB];
	_ =	sdelay $0x1  }
0x99: {  	s4 =	simm.s32 $_scs_section_size  }
0x9a: {  	s5 =	simm.s32 $_size__tile_overlayer_lowered;
	s6 =	simm.s32 $_tile_overlayer_lowered  }
0x9b: {  	s22 =	simm.s32 $0x1BFF;
	s21 =	sshll.u32 s6, $0x1;
	s3 =	sadd.s32 s4, s19  }
0x9c: {  	s7 =	simm.s32 $0x0;
	s20 =	sshll.u32 s5, $0x1;
	s5 =	sadd.s32 s21, s3  }
0x9d: {  	[timem:s7], [sflag:s22] =	dma.local [hbm:s5], s20  }
0x9e: {  	_ =	swait.ge [sflag:s22], s20  }
0x9f: {  	s4 =	ssub.s32 $0x0, s20;
	[sflag:s22] =	ssyncset.done $0x0  }
0xa0: {  	[sflag:s22] =	ssyncadd.s32 s4;
	_ =	sdelay $0x1  }
0xa1: {  	s23 =	simm.s32 $0x1B8B  }
0xa2: {  	_ =	swait.ge [sflag:s23], $0x1  }
0xa3: {  	[sflag:s23] =	ssyncset.done $0x0  }
0xa4: {  	s25 =	simm.s32 $0x1B8E;
	s24 =	sld [smem:$0x3FFE];
	[sflag:s23] =	ssyncadd.s32 $0xFFFFFFFF  }
0xa5: {  	s26 =	simm.s32 $execute0_lowered;
	[smem:$0x3FD2] =	sst s25  }
0xa6: {  	s5 =	sshll.u32 s26, $0x1;
	_ =	strace $0x80000046;
	[dreg:$0x1] =	wrdreg $0xFFFFFFFF  }
0xa7: {  	s28 =	simm.s32 $_size_execute0_lowered;
	s3 =	sadd.s32 s3, s5;
	[dreg:$0x0] =	wrdreg $0x0  }
0xa8: {  	s5 =	sshll.u32 s28, $0x1;
	[dreg:$0x2] =	wrdreg s3  }
0xa9: {  	[dreg:$0x3] =	wrdreg s5  }
0xaa: {  	[dreg:$0x4] =	wrdreg $0xC0  }
0xab: {  	_ =	task [dreg:s7], $0x5FFFF  }
0xac: {  	[dreg:$0x1] =	wrdreg $0xFFFFFFFF  }
0xad: {  	[dreg:$0x0] =	wrdreg $0x60  }
0xae: {  	[dreg:$0x2] =	wrdreg s2  }
0xaf: {  	[dreg:$0x3] =	wrdreg s24  }
0xb0: {  	[dreg:$0x4] =	wrdreg $0x28800  }
0xb1: {  	[dreg:$0x5] =	wrdreg $0x9  }
0xb2: {  	_ =	task.clear_ibuf [dreg:s7], $0x6FFFF;
	_ =	strace $0x90000046  }
0xb3: {  	s29 =	simm.s32 $0x9;
	_ =	strace $0x80000048  }
0xb4: {  	_ =	swait.ge [sflag:s29], $0x1  }
0xb5: {  	[sflag:s29] =	ssyncadd.s32 $0xFFFFFFFF  }
0xb6: {  	_ =	strace $0x90000048  }
0xb7: {  	_ =	sfence  }
0xb8: {  	s30 =	sld [smem:$0x0];
	_ =	sdelay $0x2  }
0xb9: {  	s31 =	sshll.u32 s1, $0xD;
	s1 =	sshrl.u32 s1, $0x2  }
0xba: {  	s3 =	sand.u32 $0x4000, s31;
	s1 =	sadd.s32 s1, s30  }
0xbb: {  	s0 =	sor.u32 s3, s0;
	s1 =	sshll.u32 s1, $0x11  }
0xbc: {  	s0 =	sor.u32 s1, s0  }
0xbd: {  	s0 =	sadd.s32 $0x8F2B, s0  }
0xbe: {  	[sflag:s0] =	ssyncadd.remote.s32 $0x1  }
0xbf: {  	_ =	sfence.sel $0xFFFF  }
0xc0: {  	[dreg:$0x0] =	wrdreg $0xFFFFFFFF;
	(pc) =	sbr.abs _section_cstart, $3  }
0xc1: {  	[dreg:$0x1] =	wrdreg $0xFFFFFFFF  }
0xc2: {  	_ =	task.clear_ibuf [dreg:s7], $0x2FFFF;
	_ =	strace $0x9FFFFFFF  }
0xc3: {  	(tm) =	ssettm $0x7FFFFFFF  }
tec
execute0_lowered:
.L_overlay_start_1:
0x0: {  	(tag) =	ssettag $0x1  }
0x1: {  	s6 =	rddreg [dreg:$0x0]  }
0x2: {  	s7 =	rddreg [dreg:$0x1]  }
0x3: {  	s1 =	rddreg [dreg:$0x2]  }
0x4: {  	s2 =	srdreg.scid;
	s0 =	rddreg [dreg:$0x3];
	s3 =	simm.s32 $0x0  }
0x5: {  	s14 =	simm.s32 $0x80;
	s15 =	simm.s32 $0x0;
	s8 =	sand.u32 $0x1, s2  }
0x6: {  	[smem:$0x7FF] =	sst s3;
	s2 =	stileid.u32;
	s4 =	sshll.u32 s8, $0x4  }
0x7: {  	_ =	strace $0x80000047;
	s9 =	ssub.s32 $0x2, s8;
	s12 =	smul.u32 $0x280, s2  }
0x8: {  	p0 =	seq.s32 s8, $0x1;
	s8 =	simm.s32 $0x4000;
	s31 =	sshll.u32 s2, $0x6  }
0x9: {  	s5 =	sor.u32 s2, s4;
	s4 =	sadd.s32 $0x3E00, s7;
	s11 =	sshrl.u32 s9, $0x1  }
0xa: {  	s8 =	simm.s32 @!p0 $0x4600;
	s10 =	smul.u32 $0x500, s5;
	s5 =	sadd.s32 $0x3C00, s7  }
0xb: {  	s9 =	ssub.s32 s9, s11;
	s30 =	sadd.s32 s12, s1;
	s12 =	sshrl.u32 s12, $0x3  }
0xc: {  	s13 =	sadd.s32 s8, s7;
	s7 =	sor.u32 $0x1C02, s31;
	s11 =	simm.s32 $0x2  }
0xd: {  	s8 =	smax.u32 s9, $0x1;
	s9 =	sadd.s32 s13, s12;
	s12 =	simm.s32 $0x2800  }
0xe: {  	s13 =	simm.s32 $0x1;
	s6 =	sadd.s32 s6, s10;
	s10 =	sshrl.u32 s30, $0x3  }
.LBB2_1:
0xf: {  	[tilespmem:s3], [sflag:$0x1] =	stream.linear.gather [hbm4b:s6+s3], $0x2800, $0x38;
	[tilespmem:$0x2B00] =	vst v63  }
0x10: {  	[spmem:s10], [sflag:s7] =	dma.local [hbm:s4], $0x50  }
0x11: {  	_ =	swait.ge [sflag:s11], $0x50  }
0x12: {  	[sflag:s11] =	ssyncset.done $0x0  }
0x13: {  	[sflag:s11] =	ssyncadd.s32 $0xFFFFFFB0  }
0x14: {  	[tilespmem:s12], [sflag:$0x2] =	stream.linear.gather [hbm4b:s5+s3], $0x80, $0x38;
	[tilespmem:$0x2B00] =	vst v63  }
0x15: {  	_ =	swait.ge [sflag:s11], $0x80  }
0x16: {  	[sflag:s11] =	ssyncset.done $0x0  }
0x17: {  	[sflag:s11] =	ssyncadd.s32 $0xFFFFFF80  }
0x18: {  	_ =	swait.ge [sflag:s13], $0x2800  }
0x19: {  	[sflag:s13] =	ssyncset.done $0x0  }
0x1a: {  	[sflag:s13] =	ssyncadd.s32 $0xFFFFD800  }
0x1b: {  	s16 =	simm.s32 $0x0;
	[bflag:$0x0] =	sbarrier.arrive $0xFFFF  }
0x1c: {  	[spmem:s1] =	stream.indirect.scatter.add.f32 [tilespmem:s12], [sflag:$0x2], $0x1, s16, s14, $0xb8;
	[tilespmem:$0x2B00] =	vst v63  }
0x1d: {  	_ =	swait.ge [sflag:s11], $0x80  }
0x1e: {  	s16 =	simm.s32 $0x200;
	[sflag:s11] =	ssyncset.done $0x0  }
.LBB2_2:
0x1f: {  	s17 =	sshra.s32 s16, $0x2;
	[sflag:s11] =	ssyncadd.s32 $0xFFFFFF80;
	p0 =	sne.s32 s16, $0x9E00  }
0x20: {  	[spmem:s1] =	stream.indirect.scatter.add.f32 [tilespmem:s12], [sflag:$0x2], $0x1, s17, s14, $0xb8;
	[tilespmem:$0x2B00] =	vst v63  }
.Ltmp0:
0x21: {  	_ = 	snop;
	(pc) =	sbr.rel @p0 .LBB2_2-.Ltmp0, $4  }
0x22: {  	_ = 	snop  }
0x23: {  	s16 =	sadd.s32 $0x200, s16  }
0x24: {  	_ =	swait.ge [sflag:s11], $0x80  }
0x25: {  	[sflag:s11] =	ssyncset.done $0x0  }
0x26: {  	s15 =	sadd.s32 $0x1, s15  }
0x27: {  	[sflag:s11] =	ssyncadd.s32 $0xFFFFFF80;
	p0 =	sne.s32 s15, s8  }
.Ltmp1:
0x28: {  	[bflag:$0x0] =	sbarrier.arrive $0xFFFF;
	(pc) =	sbr.rel @p0 .LBB2_1-.Ltmp1, $4  }
0x29: {  	[hbm:s9], [sflag:s7] =	dma.local [spmem:s10], $0x50  }
0x2a: {  	_ =	swait.ge [sflag:s11], $0x50  }
0x2b: {  	[sflag:s11] =	ssyncset.done $0x0  }
0x2c: {  	[sflag:s11] =	ssyncadd.s32 $0xFFFFFFB0  }
0x2d: {  	_ =	sfence.sel $0x180000  }
0x2e: {  	[bflag:$0x0] =	sbarrier.arrive $0xFFFF  }
0x2f: {  	p0 =	sne.s32 s2, $0x0;
	_ =	strace $0x90000047  }
0x30: {  	s0 =	sadd.s32 @!p0 $0x100000, s0;
	[bflag:$0x2] =	sbarrier.arrive $0xFFFF  }
0x31: {  	[sflag:s0] =	ssyncadd.tile.s32 @!p0 $0x1;
	_ =	shalt  }
.Lfunc_end2:
_tile_overlayer_lowered:
.L_overlay_start_2:
0x32: {  	(tag) =	ssettag $0x2  }
0x33: {  	s0 =	rddreg [dreg:$0x0];
	s2 =	stileid.u32  }
0x34: {  	s1 =	rddreg [dreg:$0x1];
	p0 =	sne.s32 s2, $0x0  }
0x35: {  	s3 =	rddreg [dreg:$0x2];
	[bflag:$0x3] =	sbarrier.arrive $0xFFFF;
	s2 =	simm.s32 @!p0 $0x1C02  }
0x36: {  	[timem:s3], [sflag:s2] =	dma.local @!p0 [hbm:s0], s1  }
0x37: {  	s0 =	simm.s32 @!p0 $0x2  }
0x38: {  	_ =	swait.ge @!p0 [sflag:s0], s1  }
0x39: {  	s1 =	ssub.s32 @!p0 $0x0, s1;
	[sflag:s0] =	ssyncset.done @!p0 $0x0  }
0x3a: {  	[sflag:s0] =	ssyncadd.s32 @!p0 s1  }
0x3b: {  	[bflag:$0x3] =	sbarrier.arrive $0xFFFF  }
0x3c: {  	_ =	shalt  }

</sc_bundles>
